<compile_context>
chip_gen: v7x
topology: tpu7x:2x2x1
jax: 0.10.2.dev20260603
libtpu: 0.0.44.dev20260713+nightly
codegen_flags: <defaults>
</compile_context>

<pallas_src>
import functools

import jax
import jax.numpy as jnp
from jax import lax
from jax.experimental import pallas as pl
from jax.experimental.pallas import tpu as pltpu
from jax.experimental.pallas import tpu_sc as plsc

M, D, B = 100000, 64, 16384
NIDX = B * D
NELEM = M * D
NSC = 2
NTILE = 16
CHUNKS_PER_SC = 2
CHUNK_ROWS = M // (NSC * CHUNKS_PER_SC)
CHUNK = CHUNK_ROWS * D
PAD = 2048
SLAB = NIDX // NTILE
TSLICE = CHUNK // NTILE
QSLICE = 5000
NQ = TSLICE // QSLICE
BATCH = 4096
NBATCH = SLAB // BATCH

_mesh = plsc.VectorSubcoreMesh(core_axis_name="c", subcore_axis_name="s")


@functools.partial(
    pl.kernel,
    out_type=jax.ShapeDtypeStruct((NELEM,), jnp.float32),
    mesh=_mesh,
    scratch_types=[
        pltpu.VMEM_SHARED((CHUNK + PAD,), jnp.float32),
        pltpu.VMEM((BATCH,), jnp.int32),
        pltpu.VMEM((BATCH,), jnp.int32),
        pltpu.VMEM((BATCH,), jnp.int32),
        pltpu.VMEM((BATCH,), jnp.int32),
        pltpu.VMEM((BATCH,), jnp.float32),
        pltpu.VMEM((QSLICE,), jnp.float32),
        pltpu.VMEM((QSLICE,), jnp.float32),
        pltpu.VMEM((16,), jnp.int32),
        pltpu.SemaphoreType.DMA,
        pltpu.SemaphoreType.DMA,
        pltpu.SemaphoreType.DMA,
        pltpu.SemaphoreType.DMA,
    ],
)
def _scatter_add(x_hbm, idx_hbm, val_hbm, dim_hbm, out_hbm,
                 acc, ibuf0, ibuf1, fbuf0, fbuf1, vals, bn0, bn1, dimv,
                 sm0, sm1, sm2, sm3):
    c = lax.axis_index("c")
    s = lax.axis_index("s")
    iota = lax.iota(jnp.int32, 16)

    pltpu.sync_copy(val_hbm, vals)
    pltpu.sync_copy(dim_hbm, dimv)
    dim64 = dimv[pl.ds(0, 16)] * D

    x_flat = x_hbm
    idx_flat = idx_hbm
    out_flat = out_hbm

    for kk in range(CHUNKS_PER_SC):
        ebase = (c * CHUNKS_PER_SC + kk) * CHUNK
        coladj = [dim64 + iota + (j * 16 - ebase) for j in range(4)]
        dummy0 = iota + (CHUNK + 128 * s)
        hbase = ebase + s * TSLICE
        abase = s * TSLICE

        @pl.loop(0, NQ // 2)
        def _(g):
            o0 = g * (2 * QSLICE)
            o1 = o0 + QSLICE
            d0 = pltpu.async_copy(x_flat.at[pl.ds(hbase + o0, QSLICE)], bn0, sm0)
            d1 = pltpu.async_copy(x_flat.at[pl.ds(hbase + o1, QSLICE)], bn1, sm1)
            d0.wait()
            a0 = pltpu.async_copy(bn0, acc.at[pl.ds(abase + o0, QSLICE)], sm2)
            d1.wait()
            a1 = pltpu.async_copy(bn1, acc.at[pl.ds(abase + o1, QSLICE)], sm3)
            a0.wait()
            a1.wait()

        plsc.subcore_barrier()

        @pl.loop(0, NBATCH // 2)
        def _(g):
            b0 = s * SLAB + (2 * g) * BATCH
            b1 = b0 + BATCH
            di0 = pltpu.async_copy(idx_flat.at[pl.ds(b0, BATCH)], ibuf0, sm0)
            di1 = pltpu.async_copy(idx_flat.at[pl.ds(b1, BATCH)], ibuf1, sm1)
            di0.wait()

            @plsc.parallel_loop(0, BATCH // 64, unroll=2)
            def _(t):
                for j in range(4):
                    v = ibuf0[pl.ds(t * 64 + j * 16, 16)]
                    l = v * 64 + coladj[j]
                    ok = plsc.bitcast(l, jnp.uint32) < jnp.uint32(CHUNK)
                    dmy = dummy0 + (((t * 4 + j) & 7) * 16)
                    fbuf0[pl.ds(t * 64 + j * 16, 16)] = jnp.where(ok, l, dmy)

            sc0 = pltpu.async_copy(vals, acc.at[fbuf0], sm2, add=True)
            di1.wait()

            @plsc.parallel_loop(0, BATCH // 64, unroll=2)
            def _(t):
                for j in range(4):
                    v = ibuf1[pl.ds(t * 64 + j * 16, 16)]
                    l = v * 64 + coladj[j]
                    ok = plsc.bitcast(l, jnp.uint32) < jnp.uint32(CHUNK)
                    dmy = dummy0 + (((t * 4 + j) & 7) * 16)
                    fbuf1[pl.ds(t * 64 + j * 16, 16)] = jnp.where(ok, l, dmy)

            sc1 = pltpu.async_copy(vals, acc.at[fbuf1], sm3, add=True)
            sc0.wait()
            sc1.wait()

        plsc.subcore_barrier()

        @pl.loop(0, NQ // 2)
        def _(g):
            o0 = g * (2 * QSLICE)
            o1 = o0 + QSLICE
            d0 = pltpu.async_copy(acc.at[pl.ds(abase + o0, QSLICE)], bn0, sm0)
            d1 = pltpu.async_copy(acc.at[pl.ds(abase + o1, QSLICE)], bn1, sm1)
            d0.wait()
            a0 = pltpu.async_copy(bn0, out_flat.at[pl.ds(hbase + o0, QSLICE)], sm2)
            d1.wait()
            a1 = pltpu.async_copy(bn1, out_flat.at[pl.ds(hbase + o1, QSLICE)], sm3)
            a0.wait()
            a1.wait()


def kernel(x, dim, index, value):
    idx_flat = index.astype(jnp.int32).reshape(-1)
    vals = jnp.full((BATCH,), value, dtype=jnp.float32)
    dimarr = jnp.full((16,), dim, dtype=jnp.int32)
    out = _scatter_add(x.reshape(-1), idx_flat, vals, dimarr)
    return out.reshape(M, D)

# --- scband reference (transcript-rebuilt; emitter-appended) ---
"""Pipeline reference for scband-torch-ops-aten-scatter-value-reduce-module-66236985639585 (READ-ONLY COPY).

The authoritative reference and input builder live on the scoring server;
editing this copy changes nothing except your own understanding.
"""

import jax, jax.numpy as jnp
import numpy as np


def setup_inputs(seed: int = 0) -> dict:
    key = jax.random.key(seed)
    k1, k2 = jax.random.split(key)
    M, d, B = 100000, 64, 16384
    x = jax.random.normal(k1, (M, d), dtype=jnp.float32)
    index = jax.random.randint(k2, (B, d), 0, M, dtype=jnp.int64)
    return {"x": x, "dim": 0, "index": index, "value": 1}


def reference(x, dim, index, value):
    # aten.scatter.value_reduce(x, dim, index, value, reduce='add')
    # Semantics (dim=0): out = x.clone(); out[index[i, j], j] += value for all i, j
    # Duplicate indices accumulate, matching PyTorch's scatter reduce='add'.
    col = jnp.broadcast_to(jnp.arange(x.shape[1]), index.shape)
    row = index + jnp.asarray(dim, dtype=index.dtype)
    out = x.at[row, col].add(jnp.float32(value))
    return out

if __name__ == "__main__":
    import jax
    _d = setup_inputs()
    print(jax.jit(kernel)(*tuple(_d.values())))

</pallas_src>

<mosaic_0001>
#map = affine_map<(d0, d1) -> (0)>
module attributes {stable_mosaic.version = 14 : i64} {
  func.func @_scatter_add(%arg0: i32, %arg1: i32, %arg2: memref<6400000xf32, #tpu.memory_space<hbm>>, %arg3: memref<1048576xi32, #tpu.memory_space<hbm>>, %arg4: memref<4096xf32, #tpu.memory_space<hbm>>, %arg5: memref<16xi32, #tpu.memory_space<hbm>>, %arg6: memref<6400000xf32, #tpu.memory_space<hbm>>, %arg7: memref<1602048xf32, #tpu.memory_space<vmem_shared>>, %arg8: memref<4096xi32, #tpu.memory_space<vmem>>, %arg9: memref<4096xi32, #tpu.memory_space<vmem>>, %arg10: memref<4096xi32, #tpu.memory_space<vmem>>, %arg11: memref<4096xi32, #tpu.memory_space<vmem>>, %arg12: memref<4096xf32, #tpu.memory_space<vmem>>, %arg13: memref<5000xf32, #tpu.memory_space<vmem>>, %arg14: memref<5000xf32, #tpu.memory_space<vmem>>, %arg15: memref<16xi32, #tpu.memory_space<vmem>>, %arg16: memref<!tpu.dma_semaphore, #tpu.memory_space<semaphore_mem>>, %arg17: memref<!tpu.dma_semaphore, #tpu.memory_space<semaphore_mem>>, %arg18: memref<!tpu.dma_semaphore, #tpu.memory_space<semaphore_mem>>, %arg19: memref<!tpu.dma_semaphore, #tpu.memory_space<semaphore_mem>>) attributes {dimension_semantics = [#tpu.dimension_semantics<core_parallel>, #tpu.dimension_semantics<subcore_parallel>], iteration_bounds = array<i64: 2, 16>, scalar_prefetch = 0 : i64, scratch_operands = 13 : i64, tpu.core_type = #tpu.core_type<sc_vector_subcore>, window_params = [{transform_indices = #map}, {transform_indices = #map}, {transform_indices = #map}, {transform_indices = #map}, {transform_indices = #map}]} {
    %iota3A = tpu.iota {dimensions = array<i32: 0>} : vector<16xi32>
    "tpu.region"() ({
      %run_scoped3A = tpu.sem_alloc : memref<!tpu.dma_semaphore, #tpu.memory_space<semaphore_mem>>
      tpu.enqueue_dma source(%arg4 : memref<4096xf32, #tpu.memory_space<hbm>>) target(%arg12 : memref<4096xf32, #tpu.memory_space<vmem>>) target_semaphore(%run_scoped3A : memref<!tpu.dma_semaphore, #tpu.memory_space<semaphore_mem>>)
      tpu.wait_dma2 semaphore(%run_scoped3A : memref<!tpu.dma_semaphore, #tpu.memory_space<semaphore_mem>>) src(%arg4 : memref<4096xf32, #tpu.memory_space<hbm>>) dst(%arg12 : memref<4096xf32, #tpu.memory_space<vmem>>)
      tpu.yield
    }) : () -> ()
    "tpu.region"() ({
      %run_scoped3A = tpu.sem_alloc : memref<!tpu.dma_semaphore, #tpu.memory_space<semaphore_mem>>
      tpu.enqueue_dma source(%arg5 : memref<16xi32, #tpu.memory_space<hbm>>) target(%arg15 : memref<16xi32, #tpu.memory_space<vmem>>) target_semaphore(%run_scoped3A : memref<!tpu.dma_semaphore, #tpu.memory_space<semaphore_mem>>)
      tpu.wait_dma2 semaphore(%run_scoped3A : memref<!tpu.dma_semaphore, #tpu.memory_space<semaphore_mem>>) src(%arg5 : memref<16xi32, #tpu.memory_space<hbm>>) dst(%arg15 : memref<16xi32, #tpu.memory_space<vmem>>)
      tpu.yield
    }) : () -> ()
    %get3A = arith.constant 0 : index
    %get3A_0 = tpu.vector_load %arg15[%get3A] {strides = array<i32>} : memref<16xi32, #tpu.memory_space<vmem>>, vector<16xi32>,
    %get3A_1 = vector.shape_cast %get3A_0 : vector<16xi32> to vector<16xi32>
    %mul3A = arith.constant 64 : i32
    %mul3A_2 = vector.broadcast %mul3A : i32 to vector<16xi32>
    %mul3A_3 = arith.muli %get3A_1, %mul3A_2 : vector<16xi32>
    %mul3A_4 = arith.constant 2 : i32
    %mul3A_5 = arith.muli %arg0, %mul3A_4 : i32
    %add3A = arith.constant 0 : i32
    %add3A_6 = arith.addi %mul3A_5, %add3A : i32
    %mul3A_7 = arith.constant 1600000 : i32
    %mul3A_8 = arith.muli %add3A_6, %mul3A_7 : i32
    %add3A_9 = arith.addi %mul3A_3, %iota3A : vector<16xi32>
    %sub3A = arith.constant 0 : i32
    %sub3A_10 = arith.subi %sub3A, %mul3A_8 : i32
    %add3A_11 = vector.broadcast %sub3A_10 : i32 to vector<16xi32>
    %add3A_12 = arith.addi %add3A_9, %add3A_11 : vector<16xi32>
    %add3A_13 = arith.addi %mul3A_3, %iota3A : vector<16xi32>
    %sub3A_14 = arith.constant 16 : i32
    %sub3A_15 = arith.subi %sub3A_14, %mul3A_8 : i32
    %add3A_16 = vector.broadcast %sub3A_15 : i32 to vector<16xi32>
    %add3A_17 = arith.addi %add3A_13, %add3A_16 : vector<16xi32>
    %add3A_18 = arith.addi %mul3A_3, %iota3A : vector<16xi32>
    %sub3A_19 = arith.constant 32 : i32
    %sub3A_20 = arith.subi %sub3A_19, %mul3A_8 : i32
    %add3A_21 = vector.broadcast %sub3A_20 : i32 to vector<16xi32>
    %add3A_22 = arith.addi %add3A_18, %add3A_21 : vector<16xi32>
    %add3A_23 = arith.addi %mul3A_3, %iota3A : vector<16xi32>
    %sub3A_24 = arith.constant 48 : i32
    %sub3A_25 = arith.subi %sub3A_24, %mul3A_8 : i32
    %add3A_26 = vector.broadcast %sub3A_25 : i32 to vector<16xi32>
    %add3A_27 = arith.addi %add3A_23, %add3A_26 : vector<16xi32>
    %mul3A_28 = arith.constant 128 : i32
    %mul3A_29 = arith.muli %mul3A_28, %arg1 : i32
    %add3A_30 = arith.constant 1600000 : i32
    %add3A_31 = arith.addi %add3A_30, %mul3A_29 : i32
    %add3A_32 = vector.broadcast %add3A_31 : i32 to vector<16xi32>
    %add3A_33 = arith.addi %iota3A, %add3A_32 : vector<16xi32>
    %mul3A_34 = arith.constant 100000 : i32
    %mul3A_35 = arith.muli %arg1, %mul3A_34 : i32
    %add3A_36 = arith.addi %mul3A_8, %mul3A_35 : i32
    %mul3A_37 = arith.constant 100000 : i32
    %mul3A_38 = arith.muli %arg1, %mul3A_37 : i32
    %scan3A = arith.constant 0 : i32
    %scan3A_39 = arith.constant 10 : i32
    %scan3A_40 = arith.addi %scan3A, %scan3A_39 : i32
    %scan3A_41 = arith.constant 1 : i32
    scf.for %scan3A_108 = %scan3A to %scan3A_40 step %scan3A_41  : i32 {
      %mul3A_109 = arith.constant 1 : i32
      %mul3A_110 = arith.muli %scan3A_108, %mul3A_109 : i32
      %add3A_111 = arith.constant 0 : i32
      %add3A_112 = arith.addi %add3A_111, %mul3A_110 : i32
      %mul3A_113 = arith.constant 10000 : i32
      %mul3A_114 = arith.muli %add3A_112, %mul3A_113 : i32
      %add3A_115 = arith.constant 5000 : i32
      %add3A_116 = arith.addi %mul3A_114, %add3A_115 : i32
      %add3A_117 = arith.addi %add3A_36, %mul3A_114 : i32
      %dma_start3A = tpu.memref_slice %arg2[%add3A_117] : memref<6400000xf32, #tpu.memory_space<hbm>> -> memref<5000xf32, #tpu.memory_space<hbm>>
      %dma_start3A_118 = tpu.memref_slice %arg2[%add3A_117] : memref<6400000xf32, #tpu.memory_space<hbm>> -> memref<5000xf32, #tpu.memory_space<hbm>>
      tpu.enqueue_dma source(%dma_start3A_118 : memref<5000xf32, #tpu.memory_space<hbm>>) target(%arg13 : memref<5000xf32, #tpu.memory_space<vmem>>) target_semaphore(%arg16 : memref<!tpu.dma_semaphore, #tpu.memory_space<semaphore_mem>>)
      %add3A_119 = arith.addi %add3A_36, %add3A_116 : i32
      %dma_start3A_120 = tpu.memref_slice %arg2[%add3A_119] : memref<6400000xf32, #tpu.memory_space<hbm>> -> memref<5000xf32, #tpu.memory_space<hbm>>
      %dma_start3A_121 = tpu.memref_slice %arg2[%add3A_119] : memref<6400000xf32, #tpu.memory_space<hbm>> -> memref<5000xf32, #tpu.memory_space<hbm>>
      tpu.enqueue_dma source(%dma_start3A_121 : memref<5000xf32, #tpu.memory_space<hbm>>) target(%arg14 : memref<5000xf32, #tpu.memory_space<vmem>>) target_semaphore(%arg17 : memref<!tpu.dma_semaphore, #tpu.memory_space<semaphore_mem>>)
      %dma_wait3A = tpu.memref_slice %arg2[%add3A_117] : memref<6400000xf32, #tpu.memory_space<hbm>> -> memref<5000xf32, #tpu.memory_space<hbm>>
      %dma_wait3A_122 = tpu.memref_slice %arg2[%add3A_117] : memref<6400000xf32, #tpu.memory_space<hbm>> -> memref<5000xf32, #tpu.memory_space<hbm>>
      tpu.wait_dma2 semaphore(%arg16 : memref<!tpu.dma_semaphore, #tpu.memory_space<semaphore_mem>>) src(%dma_wait3A_122 : memref<5000xf32, #tpu.memory_space<hbm>>) dst(%arg13 : memref<5000xf32, #tpu.memory_space<vmem>>)
      %add3A_123 = arith.addi %mul3A_38, %mul3A_114 : i32
      %dma_start3A_124 = tpu.memref_slice %arg7[%add3A_123] : memref<1602048xf32, #tpu.memory_space<vmem_shared>> -> memref<5000xf32, #tpu.memory_space<vmem_shared>>
      %dma_start3A_125 = tpu.memref_slice %arg7[%add3A_123] : memref<1602048xf32, #tpu.memory_space<vmem_shared>> -> memref<5000xf32, #tpu.memory_space<vmem_shared>>
      tpu.enqueue_dma source(%arg13 : memref<5000xf32, #tpu.memory_space<vmem>>) target(%dma_start3A_125 : memref<5000xf32, #tpu.memory_space<vmem_shared>>) target_semaphore(%arg18 : memref<!tpu.dma_semaphore, #tpu.memory_space<semaphore_mem>>)
      %dma_wait3A_126 = tpu.memref_slice %arg2[%add3A_119] : memref<6400000xf32, #tpu.memory_space<hbm>> -> memref<5000xf32, #tpu.memory_space<hbm>>
      %dma_wait3A_127 = tpu.memref_slice %arg2[%add3A_119] : memref<6400000xf32, #tpu.memory_space<hbm>> -> memref<5000xf32, #tpu.memory_space<hbm>>
      tpu.wait_dma2 semaphore(%arg17 : memref<!tpu.dma_semaphore, #tpu.memory_space<semaphore_mem>>) src(%dma_wait3A_127 : memref<5000xf32, #tpu.memory_space<hbm>>) dst(%arg14 : memref<5000xf32, #tpu.memory_space<vmem>>)
      %add3A_128 = arith.addi %mul3A_38, %add3A_116 : i32
      %dma_start3A_129 = tpu.memref_slice %arg7[%add3A_128] : memref<1602048xf32, #tpu.memory_space<vmem_shared>> -> memref<5000xf32, #tpu.memory_space<vmem_shared>>
      %dma_start3A_130 = tpu.memref_slice %arg7[%add3A_128] : memref<1602048xf32, #tpu.memory_space<vmem_shared>> -> memref<5000xf32, #tpu.memory_space<vmem_shared>>
      tpu.enqueue_dma source(%arg14 : memref<5000xf32, #tpu.memory_space<vmem>>) target(%dma_start3A_130 : memref<5000xf32, #tpu.memory_space<vmem_shared>>) target_semaphore(%arg19 : memref<!tpu.dma_semaphore, #tpu.memory_space<semaphore_mem>>)
      %dma_wait3A_131 = tpu.memref_slice %arg7[%add3A_123] : memref<1602048xf32, #tpu.memory_space<vmem_shared>> -> memref<5000xf32, #tpu.memory_space<vmem_shared>>
      %dma_wait3A_132 = tpu.memref_slice %arg7[%add3A_123] : memref<1602048xf32, #tpu.memory_space<vmem_shared>> -> memref<5000xf32, #tpu.memory_space<vmem_shared>>
      tpu.wait_dma2 semaphore(%arg18 : memref<!tpu.dma_semaphore, #tpu.memory_space<semaphore_mem>>) src(%arg13 : memref<5000xf32, #tpu.memory_space<vmem>>) dst(%dma_wait3A_132 : memref<5000xf32, #tpu.memory_space<vmem_shared>>)
      %dma_wait3A_133 = tpu.memref_slice %arg7[%add3A_128] : memref<1602048xf32, #tpu.memory_space<vmem_shared>> -> memref<5000xf32, #tpu.memory_space<vmem_shared>>
      %dma_wait3A_134 = tpu.memref_slice %arg7[%add3A_128] : memref<1602048xf32, #tpu.memory_space<vmem_shared>> -> memref<5000xf32, #tpu.memory_space<vmem_shared>>
      tpu.wait_dma2 semaphore(%arg19 : memref<!tpu.dma_semaphore, #tpu.memory_space<semaphore_mem>>) src(%arg14 : memref<5000xf32, #tpu.memory_space<vmem>>) dst(%dma_wait3A_134 : memref<5000xf32, #tpu.memory_space<vmem_shared>>)
    }
    %scan3A_42 = arith.constant 10 : i32
    %barrier3A = arith.constant 0 : index
    tpu.barrier barrier_id(%barrier3A)
    %scan3A_43 = arith.constant 0 : i32
    %scan3A_44 = arith.constant 8 : i32
    %scan3A_45 = arith.addi %scan3A_43, %scan3A_44 : i32
    %scan3A_46 = arith.constant 1 : i32
    scf.for %scan3A_108 = %scan3A_43 to %scan3A_45 step %scan3A_46  : i32 {
      %mul3A_109 = arith.constant 1 : i32
      %mul3A_110 = arith.muli %scan3A_108, %mul3A_109 : i32
      %add3A_111 = arith.constant 0 : i32
      %add3A_112 = arith.addi %add3A_111, %mul3A_110 : i32
      %mul3A_113 = arith.constant 65536 : i32
      %mul3A_114 = arith.muli %arg1, %mul3A_113 : i32
      %mul3A_115 = arith.constant 2 : i32
      %mul3A_116 = arith.muli %mul3A_115, %add3A_112 : i32
      %mul3A_117 = arith.constant 4096 : i32
      %mul3A_118 = arith.muli %mul3A_116, %mul3A_117 : i32
      %add3A_119 = arith.addi %mul3A_114, %mul3A_118 : i32
      %add3A_120 = arith.constant 4096 : i32
      %add3A_121 = arith.addi %add3A_119, %add3A_120 : i32
      %dma_start3A = tpu.memref_slice %arg3[%add3A_119] : memref<1048576xi32, #tpu.memory_space<hbm>> -> memref<4096xi32, #tpu.memory_space<hbm>>
      %dma_start3A_122 = tpu.memref_slice %arg3[%add3A_119] : memref<1048576xi32, #tpu.memory_space<hbm>> -> memref<4096xi32, #tpu.memory_space<hbm>>
      tpu.enqueue_dma source(%dma_start3A_122 : memref<4096xi32, #tpu.memory_space<hbm>>) target(%arg8 : memref<4096xi32, #tpu.memory_space<vmem>>) target_semaphore(%arg16 : memref<!tpu.dma_semaphore, #tpu.memory_space<semaphore_mem>>)
      %dma_start3A_123 = tpu.memref_slice %arg3[%add3A_121] : memref<1048576xi32, #tpu.memory_space<hbm>> -> memref<4096xi32, #tpu.memory_space<hbm>>
      %dma_start3A_124 = tpu.memref_slice %arg3[%add3A_121] : memref<1048576xi32, #tpu.memory_space<hbm>> -> memref<4096xi32, #tpu.memory_space<hbm>>
      tpu.enqueue_dma source(%dma_start3A_124 : memref<4096xi32, #tpu.memory_space<hbm>>) target(%arg9 : memref<4096xi32, #tpu.memory_space<vmem>>) target_semaphore(%arg17 : memref<!tpu.dma_semaphore, #tpu.memory_space<semaphore_mem>>)
      %dma_wait3A = tpu.memref_slice %arg3[%add3A_119] : memref<1048576xi32, #tpu.memory_space<hbm>> -> memref<4096xi32, #tpu.memory_space<hbm>>
      %dma_wait3A_125 = tpu.memref_slice %arg3[%add3A_119] : memref<1048576xi32, #tpu.memory_space<hbm>> -> memref<4096xi32, #tpu.memory_space<hbm>>
      tpu.wait_dma2 semaphore(%arg16 : memref<!tpu.dma_semaphore, #tpu.memory_space<semaphore_mem>>) src(%dma_wait3A_125 : memref<4096xi32, #tpu.memory_space<hbm>>) dst(%arg8 : memref<4096xi32, #tpu.memory_space<vmem>>)
      %parallel_loop3A = arith.constant 0 : i32
      %parallel_loop3A_126 = arith.constant 64 : i32
      %parallel_loop3A_127 = arith.constant 1 : i32
      scf.for %parallel_loop3A_141 = %parallel_loop3A to %parallel_loop3A_126 step %parallel_loop3A_127  : i32 {
        %parallel_loop3A_142 = arith.constant 64 : i32
        %parallel_loop3A_143 = arith.muli %parallel_loop3A_141, %parallel_loop3A_142 : i32
        %parallel_loop3A_144 = arith.constant 0 : i32
        %parallel_loop3A_145 = arith.addi %parallel_loop3A_143, %parallel_loop3A_144 : i32
        %parallel_loop3A_146 = arith.index_cast %parallel_loop3A_145 : i32 to index
        %parallel_loop3A_147 = tpu.vector_load %arg8[%parallel_loop3A_146] {strides = array<i32>} : memref<4096xi32, #tpu.memory_space<vmem>>, vector<16xi32>,
        %parallel_loop3A_148 = vector.shape_cast %parallel_loop3A_147 : vector<16xi32> to vector<16xi32>
        %parallel_loop3A_149 = arith.constant 64 : i32
        %parallel_loop3A_150 = vector.broadcast %parallel_loop3A_149 : i32 to vector<16xi32>
        %parallel_loop3A_151 = arith.muli %parallel_loop3A_148, %parallel_loop3A_150 : vector<16xi32>
        %parallel_loop3A_152 = arith.addi %parallel_loop3A_151, %add3A_12 : vector<16xi32>
        %parallel_loop3A_153 = vector.bitcast %parallel_loop3A_152 : vector<16xi32> to vector<16xi32>
        %parallel_loop3A_154 = arith.constant 1600000 : i32
        %parallel_loop3A_155 = vector.broadcast %parallel_loop3A_154 : i32 to vector<16xi32>
        %parallel_loop3A_156 = arith.cmpi ult, %parallel_loop3A_153, %parallel_loop3A_155 : vector<16xi32>
        %parallel_loop3A_157 = arith.constant 4 : i32
        %parallel_loop3A_158 = arith.muli %parallel_loop3A_141, %parallel_loop3A_157 : i32
        %parallel_loop3A_159 = arith.constant 0 : i32
        %parallel_loop3A_160 = arith.addi %parallel_loop3A_158, %parallel_loop3A_159 : i32
        %parallel_loop3A_161 = arith.constant 7 : i32
        %parallel_loop3A_162 = arith.andi %parallel_loop3A_160, %parallel_loop3A_161 : i32
        %parallel_loop3A_163 = arith.constant 16 : i32
        %parallel_loop3A_164 = arith.muli %parallel_loop3A_162, %parallel_loop3A_163 : i32
        %parallel_loop3A_165 = vector.broadcast %parallel_loop3A_164 : i32 to vector<16xi32>
        %parallel_loop3A_166 = arith.addi %add3A_33, %parallel_loop3A_165 : vector<16xi32>
        %parallel_loop3A_167 = arith.select %parallel_loop3A_156, %parallel_loop3A_152, %parallel_loop3A_166 : vector<16xi1>, vector<16xi32>
        %parallel_loop3A_168 = arith.constant 64 : i32
        %parallel_loop3A_169 = arith.muli %parallel_loop3A_141, %parallel_loop3A_168 : i32
        %parallel_loop3A_170 = arith.constant 0 : i32
        %parallel_loop3A_171 = arith.addi %parallel_loop3A_169, %parallel_loop3A_170 : i32
        %parallel_loop3A_172 = arith.index_cast %parallel_loop3A_171 : i32 to index
        %parallel_loop3A_173 = tpu.vector_load %arg10[%parallel_loop3A_172] {strides = array<i32>} : memref<4096xi32, #tpu.memory_space<vmem>>, vector<16xi32>,
        %parallel_loop3A_174 = vector.shape_cast %parallel_loop3A_173 : vector<16xi32> to vector<16xi32>
        %parallel_loop3A_175 = vector.shape_cast %parallel_loop3A_167 : vector<16xi32> to vector<16xi32>
        tpu.vector_store %arg10[%parallel_loop3A_172], %parallel_loop3A_175 {strides = array<i32>} : memref<4096xi32, #tpu.memory_space<vmem>>, vector<16xi32>,
        %parallel_loop3A_176 = arith.constant 64 : i32
        %parallel_loop3A_177 = arith.muli %parallel_loop3A_141, %parallel_loop3A_176 : i32
        %parallel_loop3A_178 = arith.constant 16 : i32
        %parallel_loop3A_179 = arith.addi %parallel_loop3A_177, %parallel_loop3A_178 : i32
        %parallel_loop3A_180 = arith.index_cast %parallel_loop3A_179 : i32 to index
        %parallel_loop3A_181 = tpu.vector_load %arg8[%parallel_loop3A_180] {strides = array<i32>} : memref<4096xi32, #tpu.memory_space<vmem>>, vector<16xi32>,
        %parallel_loop3A_182 = vector.shape_cast %parallel_loop3A_181 : vector<16xi32> to vector<16xi32>
        %parallel_loop3A_183 = arith.constant 64 : i32
        %parallel_loop3A_184 = vector.broadcast %parallel_loop3A_183 : i32 to vector<16xi32>
        %parallel_loop3A_185 = arith.muli %parallel_loop3A_182, %parallel_loop3A_184 : vector<16xi32>
        %parallel_loop3A_186 = arith.addi %parallel_loop3A_185, %add3A_17 : vector<16xi32>
        %parallel_loop3A_187 = vector.bitcast %parallel_loop3A_186 : vector<16xi32> to vector<16xi32>
        %parallel_loop3A_188 = arith.constant 1600000 : i32
        %parallel_loop3A_189 = vector.broadcast %parallel_loop3A_188 : i32 to vector<16xi32>
        %parallel_loop3A_190 = arith.cmpi ult, %parallel_loop3A_187, %parallel_loop3A_189 : vector<16xi32>
        %parallel_loop3A_191 = arith.constant 4 : i32
        %parallel_loop3A_192 = arith.muli %parallel_loop3A_141, %parallel_loop3A_191 : i32
        %parallel_loop3A_193 = arith.constant 1 : i32
        %parallel_loop3A_194 = arith.addi %parallel_loop3A_192, %parallel_loop3A_193 : i32
        %parallel_loop3A_195 = arith.constant 7 : i32
        %parallel_loop3A_196 = arith.andi %parallel_loop3A_194, %parallel_loop3A_195 : i32
        %parallel_loop3A_197 = arith.constant 16 : i32
        %parallel_loop3A_198 = arith.muli %parallel_loop3A_196, %parallel_loop3A_197 : i32
        %parallel_loop3A_199 = vector.broadcast %parallel_loop3A_198 : i32 to vector<16xi32>
        %parallel_loop3A_200 = arith.addi %add3A_33, %parallel_loop3A_199 : vector<16xi32>
        %parallel_loop3A_201 = arith.select %parallel_loop3A_190, %parallel_loop3A_186, %parallel_loop3A_200 : vector<16xi1>, vector<16xi32>
        %parallel_loop3A_202 = arith.constant 64 : i32
        %parallel_loop3A_203 = arith.muli %parallel_loop3A_141, %parallel_loop3A_202 : i32
        %parallel_loop3A_204 = arith.constant 16 : i32
        %parallel_loop3A_205 = arith.addi %parallel_loop3A_203, %parallel_loop3A_204 : i32
        %parallel_loop3A_206 = arith.index_cast %parallel_loop3A_205 : i32 to index
        %parallel_loop3A_207 = tpu.vector_load %arg10[%parallel_loop3A_206] {strides = array<i32>} : memref<4096xi32, #tpu.memory_space<vmem>>, vector<16xi32>,
        %parallel_loop3A_208 = vector.shape_cast %parallel_loop3A_207 : vector<16xi32> to vector<16xi32>
        %parallel_loop3A_209 = vector.shape_cast %parallel_loop3A_201 : vector<16xi32> to vector<16xi32>
        tpu.vector_store %arg10[%parallel_loop3A_206], %parallel_loop3A_209 {strides = array<i32>} : memref<4096xi32, #tpu.memory_space<vmem>>, vector<16xi32>,
        %parallel_loop3A_210 = arith.constant 64 : i32
        %parallel_loop3A_211 = arith.muli %parallel_loop3A_141, %parallel_loop3A_210 : i32
        %parallel_loop3A_212 = arith.constant 32 : i32
        %parallel_loop3A_213 = arith.addi %parallel_loop3A_211, %parallel_loop3A_212 : i32
        %parallel_loop3A_214 = arith.index_cast %parallel_loop3A_213 : i32 to index
        %parallel_loop3A_215 = tpu.vector_load %arg8[%parallel_loop3A_214] {strides = array<i32>} : memref<4096xi32, #tpu.memory_space<vmem>>, vector<16xi32>,
        %parallel_loop3A_216 = vector.shape_cast %parallel_loop3A_215 : vector<16xi32> to vector<16xi32>
        %parallel_loop3A_217 = arith.constant 64 : i32
        %parallel_loop3A_218 = vector.broadcast %parallel_loop3A_217 : i32 to vector<16xi32>
        %parallel_loop3A_219 = arith.muli %parallel_loop3A_216, %parallel_loop3A_218 : vector<16xi32>
        %parallel_loop3A_220 = arith.addi %parallel_loop3A_219, %add3A_22 : vector<16xi32>
        %parallel_loop3A_221 = vector.bitcast %parallel_loop3A_220 : vector<16xi32> to vector<16xi32>
        %parallel_loop3A_222 = arith.constant 1600000 : i32
        %parallel_loop3A_223 = vector.broadcast %parallel_loop3A_222 : i32 to vector<16xi32>
        %parallel_loop3A_224 = arith.cmpi ult, %parallel_loop3A_221, %parallel_loop3A_223 : vector<16xi32>
        %parallel_loop3A_225 = arith.constant 4 : i32
        %parallel_loop3A_226 = arith.muli %parallel_loop3A_141, %parallel_loop3A_225 : i32
        %parallel_loop3A_227 = arith.constant 2 : i32
        %parallel_loop3A_228 = arith.addi %parallel_loop3A_226, %parallel_loop3A_227 : i32
        %parallel_loop3A_229 = arith.constant 7 : i32
        %parallel_loop3A_230 = arith.andi %parallel_loop3A_228, %parallel_loop3A_229 : i32
        %parallel_loop3A_231 = arith.constant 16 : i32
        %parallel_loop3A_232 = arith.muli %parallel_loop3A_230, %parallel_loop3A_231 : i32
        %parallel_loop3A_233 = vector.broadcast %parallel_loop3A_232 : i32 to vector<16xi32>
        %parallel_loop3A_234 = arith.addi %add3A_33, %parallel_loop3A_233 : vector<16xi32>
        %parallel_loop3A_235 = arith.select %parallel_loop3A_224, %parallel_loop3A_220, %parallel_loop3A_234 : vector<16xi1>, vector<16xi32>
        %parallel_loop3A_236 = arith.constant 64 : i32
        %parallel_loop3A_237 = arith.muli %parallel_loop3A_141, %parallel_loop3A_236 : i32
        %parallel_loop3A_238 = arith.constant 32 : i32
        %parallel_loop3A_239 = arith.addi %parallel_loop3A_237, %parallel_loop3A_238 : i32
        %parallel_loop3A_240 = arith.index_cast %parallel_loop3A_239 : i32 to index
        %parallel_loop3A_241 = tpu.vector_load %arg10[%parallel_loop3A_240] {strides = array<i32>} : memref<4096xi32, #tpu.memory_space<vmem>>, vector<16xi32>,
        %parallel_loop3A_242 = vector.shape_cast %parallel_loop3A_241 : vector<16xi32> to vector<16xi32>
        %parallel_loop3A_243 = vector.shape_cast %parallel_loop3A_235 : vector<16xi32> to vector<16xi32>
        tpu.vector_store %arg10[%parallel_loop3A_240], %parallel_loop3A_243 {strides = array<i32>} : memref<4096xi32, #tpu.memory_space<vmem>>, vector<16xi32>,
        %parallel_loop3A_244 = arith.constant 64 : i32
        %parallel_loop3A_245 = arith.muli %parallel_loop3A_141, %parallel_loop3A_244 : i32
        %parallel_loop3A_246 = arith.constant 48 : i32
        %parallel_loop3A_247 = arith.addi %parallel_loop3A_245, %parallel_loop3A_246 : i32
        %parallel_loop3A_248 = arith.index_cast %parallel_loop3A_247 : i32 to index
        %parallel_loop3A_249 = tpu.vector_load %arg8[%parallel_loop3A_248] {strides = array<i32>} : memref<4096xi32, #tpu.memory_space<vmem>>, vector<16xi32>,
        %parallel_loop3A_250 = vector.shape_cast %parallel_loop3A_249 : vector<16xi32> to vector<16xi32>
        %parallel_loop3A_251 = arith.constant 64 : i32
        %parallel_loop3A_252 = vector.broadcast %parallel_loop3A_251 : i32 to vector<16xi32>
        %parallel_loop3A_253 = arith.muli %parallel_loop3A_250, %parallel_loop3A_252 : vector<16xi32>
        %parallel_loop3A_254 = arith.addi %parallel_loop3A_253, %add3A_27 : vector<16xi32>
        %parallel_loop3A_255 = vector.bitcast %parallel_loop3A_254 : vector<16xi32> to vector<16xi32>
        %parallel_loop3A_256 = arith.constant 1600000 : i32
        %parallel_loop3A_257 = vector.broadcast %parallel_loop3A_256 : i32 to vector<16xi32>
        %parallel_loop3A_258 = arith.cmpi ult, %parallel_loop3A_255, %parallel_loop3A_257 : vector<16xi32>
        %parallel_loop3A_259 = arith.constant 4 : i32
        %parallel_loop3A_260 = arith.muli %parallel_loop3A_141, %parallel_loop3A_259 : i32
        %parallel_loop3A_261 = arith.constant 3 : i32
        %parallel_loop3A_262 = arith.addi %parallel_loop3A_260, %parallel_loop3A_261 : i32
        %parallel_loop3A_263 = arith.constant 7 : i32
        %parallel_loop3A_264 = arith.andi %parallel_loop3A_262, %parallel_loop3A_263 : i32
        %parallel_loop3A_265 = arith.constant 16 : i32
        %parallel_loop3A_266 = arith.muli %parallel_loop3A_264, %parallel_loop3A_265 : i32
        %parallel_loop3A_267 = vector.broadcast %parallel_loop3A_266 : i32 to vector<16xi32>
        %parallel_loop3A_268 = arith.addi %add3A_33, %parallel_loop3A_267 : vector<16xi32>
        %parallel_loop3A_269 = arith.select %parallel_loop3A_258, %parallel_loop3A_254, %parallel_loop3A_268 : vector<16xi1>, vector<16xi32>
        %parallel_loop3A_270 = arith.constant 64 : i32
        %parallel_loop3A_271 = arith.muli %parallel_loop3A_141, %parallel_loop3A_270 : i32
        %parallel_loop3A_272 = arith.constant 48 : i32
        %parallel_loop3A_273 = arith.addi %parallel_loop3A_271, %parallel_loop3A_272 : i32
        %parallel_loop3A_274 = arith.index_cast %parallel_loop3A_273 : i32 to index
        %parallel_loop3A_275 = tpu.vector_load %arg10[%parallel_loop3A_274] {strides = array<i32>} : memref<4096xi32, #tpu.memory_space<vmem>>, vector<16xi32>,
        %parallel_loop3A_276 = vector.shape_cast %parallel_loop3A_275 : vector<16xi32> to vector<16xi32>
        %parallel_loop3A_277 = vector.shape_cast %parallel_loop3A_269 : vector<16xi32> to vector<16xi32>
        tpu.vector_store %arg10[%parallel_loop3A_274], %parallel_loop3A_277 {strides = array<i32>} : memref<4096xi32, #tpu.memory_space<vmem>>, vector<16xi32>,
      } {sc.loop_unroll_factor = 2 : i64, sc.parallel_access}
      %dma_start3A_128 = arith.constant 0 : i32
      %dma_start3A_129 = tpu.memref_slice %arg7[%dma_start3A_128] : memref<1602048xf32, #tpu.memory_space<vmem_shared>> -> memref<1602048xf32, #tpu.memory_space<vmem_shared>>
      tpu.enqueue_indirect_dma source(%arg12 : memref<4096xf32, #tpu.memory_space<vmem>>) target(%dma_start3A_129 : memref<1602048xf32, #tpu.memory_space<vmem_shared>>) offsets(%arg10 : memref<4096xi32, #tpu.memory_space<vmem>>) semaphore(%arg18 : memref<!tpu.dma_semaphore, #tpu.memory_space<semaphore_mem>>) {add = true}
      %dma_wait3A_130 = tpu.memref_slice %arg3[%add3A_121] : memref<1048576xi32, #tpu.memory_space<hbm>> -> memref<4096xi32, #tpu.memory_space<hbm>>
      %dma_wait3A_131 = tpu.memref_slice %arg3[%add3A_121] : memref<1048576xi32, #tpu.memory_space<hbm>> -> memref<4096xi32, #tpu.memory_space<hbm>>
      tpu.wait_dma2 semaphore(%arg17 : memref<!tpu.dma_semaphore, #tpu.memory_space<semaphore_mem>>) src(%dma_wait3A_131 : memref<4096xi32, #tpu.memory_space<hbm>>) dst(%arg9 : memref<4096xi32, #tpu.memory_space<vmem>>)
      %parallel_loop3A_132 = arith.constant 0 : i32
      %parallel_loop3A_133 = arith.constant 64 : i32
      %parallel_loop3A_134 = arith.constant 1 : i32
      scf.for %parallel_loop3A_141 = %parallel_loop3A_132 to %parallel_loop3A_133 step %parallel_loop3A_134  : i32 {
        %parallel_loop3A_142 = arith.constant 64 : i32
        %parallel_loop3A_143 = arith.muli %parallel_loop3A_141, %parallel_loop3A_142 : i32
        %parallel_loop3A_144 = arith.constant 0 : i32
        %parallel_loop3A_145 = arith.addi %parallel_loop3A_143, %parallel_loop3A_144 : i32
        %parallel_loop3A_146 = arith.index_cast %parallel_loop3A_145 : i32 to index
        %parallel_loop3A_147 = tpu.vector_load %arg9[%parallel_loop3A_146] {strides = array<i32>} : memref<4096xi32, #tpu.memory_space<vmem>>, vector<16xi32>,
        %parallel_loop3A_148 = vector.shape_cast %parallel_loop3A_147 : vector<16xi32> to vector<16xi32>
        %parallel_loop3A_149 = arith.constant 64 : i32
        %parallel_loop3A_150 = vector.broadcast %parallel_loop3A_149 : i32 to vector<16xi32>
        %parallel_loop3A_151 = arith.muli %parallel_loop3A_148, %parallel_loop3A_150 : vector<16xi32>
        %parallel_loop3A_152 = arith.addi %parallel_loop3A_151, %add3A_12 : vector<16xi32>
        %parallel_loop3A_153 = vector.bitcast %parallel_loop3A_152 : vector<16xi32> to vector<16xi32>
        %parallel_loop3A_154 = arith.constant 1600000 : i32
        %parallel_loop3A_155 = vector.broadcast %parallel_loop3A_154 : i32 to vector<16xi32>
        %parallel_loop3A_156 = arith.cmpi ult, %parallel_loop3A_153, %parallel_loop3A_155 : vector<16xi32>
        %parallel_loop3A_157 = arith.constant 4 : i32
        %parallel_loop3A_158 = arith.muli %parallel_loop3A_141, %parallel_loop3A_157 : i32
        %parallel_loop3A_159 = arith.constant 0 : i32
        %parallel_loop3A_160 = arith.addi %parallel_loop3A_158, %parallel_loop3A_159 : i32
        %parallel_loop3A_161 = arith.constant 7 : i32
        %parallel_loop3A_162 = arith.andi %parallel_loop3A_160, %parallel_loop3A_161 : i32
        %parallel_loop3A_163 = arith.constant 16 : i32
        %parallel_loop3A_164 = arith.muli %parallel_loop3A_162, %parallel_loop3A_163 : i32
        %parallel_loop3A_165 = vector.broadcast %parallel_loop3A_164 : i32 to vector<16xi32>
        %parallel_loop3A_166 = arith.addi %add3A_33, %parallel_loop3A_165 : vector<16xi32>
        %parallel_loop3A_167 = arith.select %parallel_loop3A_156, %parallel_loop3A_152, %parallel_loop3A_166 : vector<16xi1>, vector<16xi32>
        %parallel_loop3A_168 = arith.constant 64 : i32
        %parallel_loop3A_169 = arith.muli %parallel_loop3A_141, %parallel_loop3A_168 : i32
        %parallel_loop3A_170 = arith.constant 0 : i32
        %parallel_loop3A_171 = arith.addi %parallel_loop3A_169, %parallel_loop3A_170 : i32
        %parallel_loop3A_172 = arith.index_cast %parallel_loop3A_171 : i32 to index
        %parallel_loop3A_173 = tpu.vector_load %arg11[%parallel_loop3A_172] {strides = array<i32>} : memref<4096xi32, #tpu.memory_space<vmem>>, vector<16xi32>,
        %parallel_loop3A_174 = vector.shape_cast %parallel_loop3A_173 : vector<16xi32> to vector<16xi32>
        %parallel_loop3A_175 = vector.shape_cast %parallel_loop3A_167 : vector<16xi32> to vector<16xi32>
        tpu.vector_store %arg11[%parallel_loop3A_172], %parallel_loop3A_175 {strides = array<i32>} : memref<4096xi32, #tpu.memory_space<vmem>>, vector<16xi32>,
        %parallel_loop3A_176 = arith.constant 64 : i32
        %parallel_loop3A_177 = arith.muli %parallel_loop3A_141, %parallel_loop3A_176 : i32
        %parallel_loop3A_178 = arith.constant 16 : i32
        %parallel_loop3A_179 = arith.addi %parallel_loop3A_177, %parallel_loop3A_178 : i32
        %parallel_loop3A_180 = arith.index_cast %parallel_loop3A_179 : i32 to index
        %parallel_loop3A_181 = tpu.vector_load %arg9[%parallel_loop3A_180] {strides = array<i32>} : memref<4096xi32, #tpu.memory_space<vmem>>, vector<16xi32>,
        %parallel_loop3A_182 = vector.shape_cast %parallel_loop3A_181 : vector<16xi32> to vector<16xi32>
        %parallel_loop3A_183 = arith.constant 64 : i32
        %parallel_loop3A_184 = vector.broadcast %parallel_loop3A_183 : i32 to vector<16xi32>
        %parallel_loop3A_185 = arith.muli %parallel_loop3A_182, %parallel_loop3A_184 : vector<16xi32>
        %parallel_loop3A_186 = arith.addi %parallel_loop3A_185, %add3A_17 : vector<16xi32>
        %parallel_loop3A_187 = vector.bitcast %parallel_loop3A_186 : vector<16xi32> to vector<16xi32>
        %parallel_loop3A_188 = arith.constant 1600000 : i32
        %parallel_loop3A_189 = vector.broadcast %parallel_loop3A_188 : i32 to vector<16xi32>
        %parallel_loop3A_190 = arith.cmpi ult, %parallel_loop3A_187, %parallel_loop3A_189 : vector<16xi32>
        %parallel_loop3A_191 = arith.constant 4 : i32
        %parallel_loop3A_192 = arith.muli %parallel_loop3A_141, %parallel_loop3A_191 : i32
        %parallel_loop3A_193 = arith.constant 1 : i32
        %parallel_loop3A_194 = arith.addi %parallel_loop3A_192, %parallel_loop3A_193 : i32
        %parallel_loop3A_195 = arith.constant 7 : i32
        %parallel_loop3A_196 = arith.andi %parallel_loop3A_194, %parallel_loop3A_195 : i32
        %parallel_loop3A_197 = arith.constant 16 : i32
        %parallel_loop3A_198 = arith.muli %parallel_loop3A_196, %parallel_loop3A_197 : i32
        %parallel_loop3A_199 = vector.broadcast %parallel_loop3A_198 : i32 to vector<16xi32>
        %parallel_loop3A_200 = arith.addi %add3A_33, %parallel_loop3A_199 : vector<16xi32>
        %parallel_loop3A_201 = arith.select %parallel_loop3A_190, %parallel_loop3A_186, %parallel_loop3A_200 : vector<16xi1>, vector<16xi32>
        %parallel_loop3A_202 = arith.constant 64 : i32
        %parallel_loop3A_203 = arith.muli %parallel_loop3A_141, %parallel_loop3A_202 : i32
        %parallel_loop3A_204 = arith.constant 16 : i32
        %parallel_loop3A_205 = arith.addi %parallel_loop3A_203, %parallel_loop3A_204 : i32
        %parallel_loop3A_206 = arith.index_cast %parallel_loop3A_205 : i32 to index
        %parallel_loop3A_207 = tpu.vector_load %arg11[%parallel_loop3A_206] {strides = array<i32>} : memref<4096xi32, #tpu.memory_space<vmem>>, vector<16xi32>,
        %parallel_loop3A_208 = vector.shape_cast %parallel_loop3A_207 : vector<16xi32> to vector<16xi32>
        %parallel_loop3A_209 = vector.shape_cast %parallel_loop3A_201 : vector<16xi32> to vector<16xi32>
        tpu.vector_store %arg11[%parallel_loop3A_206], %parallel_loop3A_209 {strides = array<i32>} : memref<4096xi32, #tpu.memory_space<vmem>>, vector<16xi32>,
        %parallel_loop3A_210 = arith.constant 64 : i32
        %parallel_loop3A_211 = arith.muli %parallel_loop3A_141, %parallel_loop3A_210 : i32
        %parallel_loop3A_212 = arith.constant 32 : i32
        %parallel_loop3A_213 = arith.addi %parallel_loop3A_211, %parallel_loop3A_212 : i32
        %parallel_loop3A_214 = arith.index_cast %parallel_loop3A_213 : i32 to index
        %parallel_loop3A_215 = tpu.vector_load %arg9[%parallel_loop3A_214] {strides = array<i32>} : memref<4096xi32, #tpu.memory_space<vmem>>, vector<16xi32>,
        %parallel_loop3A_216 = vector.shape_cast %parallel_loop3A_215 : vector<16xi32> to vector<16xi32>
        %parallel_loop3A_217 = arith.constant 64 : i32
        %parallel_loop3A_218 = vector.broadcast %parallel_loop3A_217 : i32 to vector<16xi32>
        %parallel_loop3A_219 = arith.muli %parallel_loop3A_216, %parallel_loop3A_218 : vector<16xi32>
        %parallel_loop3A_220 = arith.addi %parallel_loop3A_219, %add3A_22 : vector<16xi32>
        %parallel_loop3A_221 = vector.bitcast %parallel_loop3A_220 : vector<16xi32> to vector<16xi32>
        %parallel_loop3A_222 = arith.constant 1600000 : i32
        %parallel_loop3A_223 = vector.broadcast %parallel_loop3A_222 : i32 to vector<16xi32>
        %parallel_loop3A_224 = arith.cmpi ult, %parallel_loop3A_221, %parallel_loop3A_223 : vector<16xi32>
        %parallel_loop3A_225 = arith.constant 4 : i32
        %parallel_loop3A_226 = arith.muli %parallel_loop3A_141, %parallel_loop3A_225 : i32
        %parallel_loop3A_227 = arith.constant 2 : i32
        %parallel_loop3A_228 = arith.addi %parallel_loop3A_226, %parallel_loop3A_227 : i32
        %parallel_loop3A_229 = arith.constant 7 : i32
        %parallel_loop3A_230 = arith.andi %parallel_loop3A_228, %parallel_loop3A_229 : i32
        %parallel_loop3A_231 = arith.constant 16 : i32
        %parallel_loop3A_232 = arith.muli %parallel_loop3A_230, %parallel_loop3A_231 : i32
        %parallel_loop3A_233 = vector.broadcast %parallel_loop3A_232 : i32 to vector<16xi32>
        %parallel_loop3A_234 = arith.addi %add3A_33, %parallel_loop3A_233 : vector<16xi32>
        %parallel_loop3A_235 = arith.select %parallel_loop3A_224, %parallel_loop3A_220, %parallel_loop3A_234 : vector<16xi1>, vector<16xi32>
        %parallel_loop3A_236 = arith.constant 64 : i32
        %parallel_loop3A_237 = arith.muli %parallel_loop3A_141, %parallel_loop3A_236 : i32
        %parallel_loop3A_238 = arith.constant 32 : i32
        %parallel_loop3A_239 = arith.addi %parallel_loop3A_237, %parallel_loop3A_238 : i32
        %parallel_loop3A_240 = arith.index_cast %parallel_loop3A_239 : i32 to index
        %parallel_loop3A_241 = tpu.vector_load %arg11[%parallel_loop3A_240] {strides = array<i32>} : memref<4096xi32, #tpu.memory_space<vmem>>, vector<16xi32>,
        %parallel_loop3A_242 = vector.shape_cast %parallel_loop3A_241 : vector<16xi32> to vector<16xi32>
        %parallel_loop3A_243 = vector.shape_cast %parallel_loop3A_235 : vector<16xi32> to vector<16xi32>
        tpu.vector_store %arg11[%parallel_loop3A_240], %parallel_loop3A_243 {strides = array<i32>} : memref<4096xi32, #tpu.memory_space<vmem>>, vector<16xi32>,
        %parallel_loop3A_244 = arith.constant 64 : i32
        %parallel_loop3A_245 = arith.muli %parallel_loop3A_141, %parallel_loop3A_244 : i32
        %parallel_loop3A_246 = arith.constant 48 : i32
        %parallel_loop3A_247 = arith.addi %parallel_loop3A_245, %parallel_loop3A_246 : i32
        %parallel_loop3A_248 = arith.index_cast %parallel_loop3A_247 : i32 to index
        %parallel_loop3A_249 = tpu.vector_load %arg9[%parallel_loop3A_248] {strides = array<i32>} : memref<4096xi32, #tpu.memory_space<vmem>>, vector<16xi32>,
        %parallel_loop3A_250 = vector.shape_cast %parallel_loop3A_249 : vector<16xi32> to vector<16xi32>
        %parallel_loop3A_251 = arith.constant 64 : i32
        %parallel_loop3A_252 = vector.broadcast %parallel_loop3A_251 : i32 to vector<16xi32>
        %parallel_loop3A_253 = arith.muli %parallel_loop3A_250, %parallel_loop3A_252 : vector<16xi32>
        %parallel_loop3A_254 = arith.addi %parallel_loop3A_253, %add3A_27 : vector<16xi32>
        %parallel_loop3A_255 = vector.bitcast %parallel_loop3A_254 : vector<16xi32> to vector<16xi32>
        %parallel_loop3A_256 = arith.constant 1600000 : i32
        %parallel_loop3A_257 = vector.broadcast %parallel_loop3A_256 : i32 to vector<16xi32>
        %parallel_loop3A_258 = arith.cmpi ult, %parallel_loop3A_255, %parallel_loop3A_257 : vector<16xi32>
        %parallel_loop3A_259 = arith.constant 4 : i32
        %parallel_loop3A_260 = arith.muli %parallel_loop3A_141, %parallel_loop3A_259 : i32
        %parallel_loop3A_261 = arith.constant 3 : i32
        %parallel_loop3A_262 = arith.addi %parallel_loop3A_260, %parallel_loop3A_261 : i32
        %parallel_loop3A_263 = arith.constant 7 : i32
        %parallel_loop3A_264 = arith.andi %parallel_loop3A_262, %parallel_loop3A_263 : i32
        %parallel_loop3A_265 = arith.constant 16 : i32
        %parallel_loop3A_266 = arith.muli %parallel_loop3A_264, %parallel_loop3A_265 : i32
        %parallel_loop3A_267 = vector.broadcast %parallel_loop3A_266 : i32 to vector<16xi32>
        %parallel_loop3A_268 = arith.addi %add3A_33, %parallel_loop3A_267 : vector<16xi32>
        %parallel_loop3A_269 = arith.select %parallel_loop3A_258, %parallel_loop3A_254, %parallel_loop3A_268 : vector<16xi1>, vector<16xi32>
        %parallel_loop3A_270 = arith.constant 64 : i32
        %parallel_loop3A_271 = arith.muli %parallel_loop3A_141, %parallel_loop3A_270 : i32
        %parallel_loop3A_272 = arith.constant 48 : i32
        %parallel_loop3A_273 = arith.addi %parallel_loop3A_271, %parallel_loop3A_272 : i32
        %parallel_loop3A_274 = arith.index_cast %parallel_loop3A_273 : i32 to index
        %parallel_loop3A_275 = tpu.vector_load %arg11[%parallel_loop3A_274] {strides = array<i32>} : memref<4096xi32, #tpu.memory_space<vmem>>, vector<16xi32>,
        %parallel_loop3A_276 = vector.shape_cast %parallel_loop3A_275 : vector<16xi32> to vector<16xi32>
        %parallel_loop3A_277 = vector.shape_cast %parallel_loop3A_269 : vector<16xi32> to vector<16xi32>
        tpu.vector_store %arg11[%parallel_loop3A_274], %parallel_loop3A_277 {strides = array<i32>} : memref<4096xi32, #tpu.memory_space<vmem>>, vector<16xi32>,
      } {sc.loop_unroll_factor = 2 : i64, sc.parallel_access}
      %dma_start3A_135 = arith.constant 0 : i32
      %dma_start3A_136 = tpu.memref_slice %arg7[%dma_start3A_135] : memref<1602048xf32, #tpu.memory_space<vmem_shared>> -> memref<1602048xf32, #tpu.memory_space<vmem_shared>>
      tpu.enqueue_indirect_dma source(%arg12 : memref<4096xf32, #tpu.memory_space<vmem>>) target(%dma_start3A_136 : memref<1602048xf32, #tpu.memory_space<vmem_shared>>) offsets(%arg11 : memref<4096xi32, #tpu.memory_space<vmem>>) semaphore(%arg19 : memref<!tpu.dma_semaphore, #tpu.memory_space<semaphore_mem>>) {add = true}
      %dma_wait3A_137 = arith.constant 0 : i32
      %dma_wait3A_138 = tpu.memref_slice %arg7[%dma_wait3A_137] : memref<1602048xf32, #tpu.memory_space<vmem_shared>> -> memref<1602048xf32, #tpu.memory_space<vmem_shared>>
      tpu.wait_indirect_dma semaphore(%arg18 : memref<!tpu.dma_semaphore, #tpu.memory_space<semaphore_mem>>) src(%arg12 : memref<4096xf32, #tpu.memory_space<vmem>>) dst(%dma_wait3A_138 : memref<1602048xf32, #tpu.memory_space<vmem_shared>>)
      %dma_wait3A_139 = arith.constant 0 : i32
      %dma_wait3A_140 = tpu.memref_slice %arg7[%dma_wait3A_139] : memref<1602048xf32, #tpu.memory_space<vmem_shared>> -> memref<1602048xf32, #tpu.memory_space<vmem_shared>>
      tpu.wait_indirect_dma semaphore(%arg19 : memref<!tpu.dma_semaphore, #tpu.memory_space<semaphore_mem>>) src(%arg12 : memref<4096xf32, #tpu.memory_space<vmem>>) dst(%dma_wait3A_140 : memref<1602048xf32, #tpu.memory_space<vmem_shared>>)
    }
    %scan3A_47 = arith.constant 8 : i32
    %barrier3A_48 = arith.constant 0 : index
    tpu.barrier barrier_id(%barrier3A_48)
    %scan3A_49 = arith.constant 0 : i32
    %scan3A_50 = arith.constant 10 : i32
    %scan3A_51 = arith.addi %scan3A_49, %scan3A_50 : i32
    %scan3A_52 = arith.constant 1 : i32
    scf.for %scan3A_108 = %scan3A_49 to %scan3A_51 step %scan3A_52  : i32 {
      %mul3A_109 = arith.constant 1 : i32
      %mul3A_110 = arith.muli %scan3A_108, %mul3A_109 : i32
      %add3A_111 = arith.constant 0 : i32
      %add3A_112 = arith.addi %add3A_111, %mul3A_110 : i32
      %mul3A_113 = arith.constant 10000 : i32
      %mul3A_114 = arith.muli %add3A_112, %mul3A_113 : i32
      %add3A_115 = arith.constant 5000 : i32
      %add3A_116 = arith.addi %mul3A_114, %add3A_115 : i32
      %add3A_117 = arith.addi %mul3A_38, %mul3A_114 : i32
      %dma_start3A = tpu.memref_slice %arg7[%add3A_117] : memref<1602048xf32, #tpu.memory_space<vmem_shared>> -> memref<5000xf32, #tpu.memory_space<vmem_shared>>
      %dma_start3A_118 = tpu.memref_slice %arg7[%add3A_117] : memref<1602048xf32, #tpu.memory_space<vmem_shared>> -> memref<5000xf32, #tpu.memory_space<vmem_shared>>
      tpu.enqueue_dma source(%dma_start3A_118 : memref<5000xf32, #tpu.memory_space<vmem_shared>>) target(%arg13 : memref<5000xf32, #tpu.memory_space<vmem>>) target_semaphore(%arg16 : memref<!tpu.dma_semaphore, #tpu.memory_space<semaphore_mem>>)
      %add3A_119 = arith.addi %mul3A_38, %add3A_116 : i32
      %dma_start3A_120 = tpu.memref_slice %arg7[%add3A_119] : memref<1602048xf32, #tpu.memory_space<vmem_shared>> -> memref<5000xf32, #tpu.memory_space<vmem_shared>>
      %dma_start3A_121 = tpu.memref_slice %arg7[%add3A_119] : memref<1602048xf32, #tpu.memory_space<vmem_shared>> -> memref<5000xf32, #tpu.memory_space<vmem_shared>>
      tpu.enqueue_dma source(%dma_start3A_121 : memref<5000xf32, #tpu.memory_space<vmem_shared>>) target(%arg14 : memref<5000xf32, #tpu.memory_space<vmem>>) target_semaphore(%arg17 : memref<!tpu.dma_semaphore, #tpu.memory_space<semaphore_mem>>)
      %dma_wait3A = tpu.memref_slice %arg7[%add3A_117] : memref<1602048xf32, #tpu.memory_space<vmem_shared>> -> memref<5000xf32, #tpu.memory_space<vmem_shared>>
      %dma_wait3A_122 = tpu.memref_slice %arg7[%add3A_117] : memref<1602048xf32, #tpu.memory_space<vmem_shared>> -> memref<5000xf32, #tpu.memory_space<vmem_shared>>
      tpu.wait_dma2 semaphore(%arg16 : memref<!tpu.dma_semaphore, #tpu.memory_space<semaphore_mem>>) src(%dma_wait3A_122 : memref<5000xf32, #tpu.memory_space<vmem_shared>>) dst(%arg13 : memref<5000xf32, #tpu.memory_space<vmem>>)
      %add3A_123 = arith.addi %add3A_36, %mul3A_114 : i32
      %dma_start3A_124 = tpu.memref_slice %arg6[%add3A_123] : memref<6400000xf32, #tpu.memory_space<hbm>> -> memref<5000xf32, #tpu.memory_space<hbm>>
      %dma_start3A_125 = tpu.memref_slice %arg6[%add3A_123] : memref<6400000xf32, #tpu.memory_space<hbm>> -> memref<5000xf32, #tpu.memory_space<hbm>>
      tpu.enqueue_dma source(%arg13 : memref<5000xf32, #tpu.memory_space<vmem>>) target(%dma_start3A_125 : memref<5000xf32, #tpu.memory_space<hbm>>) target_semaphore(%arg18 : memref<!tpu.dma_semaphore, #tpu.memory_space<semaphore_mem>>)
      %dma_wait3A_126 = tpu.memref_slice %arg7[%add3A_119] : memref<1602048xf32, #tpu.memory_space<vmem_shared>> -> memref<5000xf32, #tpu.memory_space<vmem_shared>>
      %dma_wait3A_127 = tpu.memref_slice %arg7[%add3A_119] : memref<1602048xf32, #tpu.memory_space<vmem_shared>> -> memref<5000xf32, #tpu.memory_space<vmem_shared>>
      tpu.wait_dma2 semaphore(%arg17 : memref<!tpu.dma_semaphore, #tpu.memory_space<semaphore_mem>>) src(%dma_wait3A_127 : memref<5000xf32, #tpu.memory_space<vmem_shared>>) dst(%arg14 : memref<5000xf32, #tpu.memory_space<vmem>>)
      %add3A_128 = arith.addi %add3A_36, %add3A_116 : i32
      %dma_start3A_129 = tpu.memref_slice %arg6[%add3A_128] : memref<6400000xf32, #tpu.memory_space<hbm>> -> memref<5000xf32, #tpu.memory_space<hbm>>
      %dma_start3A_130 = tpu.memref_slice %arg6[%add3A_128] : memref<6400000xf32, #tpu.memory_space<hbm>> -> memref<5000xf32, #tpu.memory_space<hbm>>
      tpu.enqueue_dma source(%arg14 : memref<5000xf32, #tpu.memory_space<vmem>>) target(%dma_start3A_130 : memref<5000xf32, #tpu.memory_space<hbm>>) target_semaphore(%arg19 : memref<!tpu.dma_semaphore, #tpu.memory_space<semaphore_mem>>)
      %dma_wait3A_131 = tpu.memref_slice %arg6[%add3A_123] : memref<6400000xf32, #tpu.memory_space<hbm>> -> memref<5000xf32, #tpu.memory_space<hbm>>
      %dma_wait3A_132 = tpu.memref_slice %arg6[%add3A_123] : memref<6400000xf32, #tpu.memory_space<hbm>> -> memref<5000xf32, #tpu.memory_space<hbm>>
      tpu.wait_dma2 semaphore(%arg18 : memref<!tpu.dma_semaphore, #tpu.memory_space<semaphore_mem>>) src(%arg13 : memref<5000xf32, #tpu.memory_space<vmem>>) dst(%dma_wait3A_132 : memref<5000xf32, #tpu.memory_space<hbm>>)
      %dma_wait3A_133 = tpu.memref_slice %arg6[%add3A_128] : memref<6400000xf32, #tpu.memory_space<hbm>> -> memref<5000xf32, #tpu.memory_space<hbm>>
      %dma_wait3A_134 = tpu.memref_slice %arg6[%add3A_128] : memref<6400000xf32, #tpu.memory_space<hbm>> -> memref<5000xf32, #tpu.memory_space<hbm>>
      tpu.wait_dma2 semaphore(%arg19 : memref<!tpu.dma_semaphore, #tpu.memory_space<semaphore_mem>>) src(%arg14 : memref<5000xf32, #tpu.memory_space<vmem>>) dst(%dma_wait3A_134 : memref<5000xf32, #tpu.memory_space<hbm>>)
    }
    %scan3A_53 = arith.constant 10 : i32
    %mul3A_54 = arith.constant 2 : i32
    %mul3A_55 = arith.muli %arg0, %mul3A_54 : i32
    %add3A_56 = arith.constant 1 : i32
    %add3A_57 = arith.addi %mul3A_55, %add3A_56 : i32
    %mul3A_58 = arith.constant 1600000 : i32
    %mul3A_59 = arith.muli %add3A_57, %mul3A_58 : i32
    %add3A_60 = arith.addi %mul3A_3, %iota3A : vector<16xi32>
    %sub3A_61 = arith.constant 0 : i32
    %sub3A_62 = arith.subi %sub3A_61, %mul3A_59 : i32
    %add3A_63 = vector.broadcast %sub3A_62 : i32 to vector<16xi32>
    %add3A_64 = arith.addi %add3A_60, %add3A_63 : vector<16xi32>
    %add3A_65 = arith.addi %mul3A_3, %iota3A : vector<16xi32>
    %sub3A_66 = arith.constant 16 : i32
    %sub3A_67 = arith.subi %sub3A_66, %mul3A_59 : i32
    %add3A_68 = vector.broadcast %sub3A_67 : i32 to vector<16xi32>
    %add3A_69 = arith.addi %add3A_65, %add3A_68 : vector<16xi32>
    %add3A_70 = arith.addi %mul3A_3, %iota3A : vector<16xi32>
    %sub3A_71 = arith.constant 32 : i32
    %sub3A_72 = arith.subi %sub3A_71, %mul3A_59 : i32
    %add3A_73 = vector.broadcast %sub3A_72 : i32 to vector<16xi32>
    %add3A_74 = arith.addi %add3A_70, %add3A_73 : vector<16xi32>
    %add3A_75 = arith.addi %mul3A_3, %iota3A : vector<16xi32>
    %sub3A_76 = arith.constant 48 : i32
    %sub3A_77 = arith.subi %sub3A_76, %mul3A_59 : i32
    %add3A_78 = vector.broadcast %sub3A_77 : i32 to vector<16xi32>
    %add3A_79 = arith.addi %add3A_75, %add3A_78 : vector<16xi32>
    %mul3A_80 = arith.constant 128 : i32
    %mul3A_81 = arith.muli %mul3A_80, %arg1 : i32
    %add3A_82 = arith.constant 1600000 : i32
    %add3A_83 = arith.addi %add3A_82, %mul3A_81 : i32
    %add3A_84 = vector.broadcast %add3A_83 : i32 to vector<16xi32>
    %add3A_85 = arith.addi %iota3A, %add3A_84 : vector<16xi32>
    %mul3A_86 = arith.constant 100000 : i32
    %mul3A_87 = arith.muli %arg1, %mul3A_86 : i32
    %add3A_88 = arith.addi %mul3A_59, %mul3A_87 : i32
    %mul3A_89 = arith.constant 100000 : i32
    %mul3A_90 = arith.muli %arg1, %mul3A_89 : i32
    %scan3A_91 = arith.constant 0 : i32
    %scan3A_92 = arith.constant 10 : i32
    %scan3A_93 = arith.addi %scan3A_91, %scan3A_92 : i32
    %scan3A_94 = arith.constant 1 : i32
    scf.for %scan3A_108 = %scan3A_91 to %scan3A_93 step %scan3A_94  : i32 {
      %mul3A_109 = arith.constant 1 : i32
      %mul3A_110 = arith.muli %scan3A_108, %mul3A_109 : i32
      %add3A_111 = arith.constant 0 : i32
      %add3A_112 = arith.addi %add3A_111, %mul3A_110 : i32
      %mul3A_113 = arith.constant 10000 : i32
      %mul3A_114 = arith.muli %add3A_112, %mul3A_113 : i32
      %add3A_115 = arith.constant 5000 : i32
      %add3A_116 = arith.addi %mul3A_114, %add3A_115 : i32
      %add3A_117 = arith.addi %add3A_88, %mul3A_114 : i32
      %dma_start3A = tpu.memref_slice %arg2[%add3A_117] : memref<6400000xf32, #tpu.memory_space<hbm>> -> memref<5000xf32, #tpu.memory_space<hbm>>
      %dma_start3A_118 = tpu.memref_slice %arg2[%add3A_117] : memref<6400000xf32, #tpu.memory_space<hbm>> -> memref<5000xf32, #tpu.memory_space<hbm>>
      tpu.enqueue_dma source(%dma_start3A_118 : memref<5000xf32, #tpu.memory_space<hbm>>) target(%arg13 : memref<5000xf32, #tpu.memory_space<vmem>>) target_semaphore(%arg16 : memref<!tpu.dma_semaphore, #tpu.memory_space<semaphore_mem>>)
      %add3A_119 = arith.addi %add3A_88, %add3A_116 : i32
      %dma_start3A_120 = tpu.memref_slice %arg2[%add3A_119] : memref<6400000xf32, #tpu.memory_space<hbm>> -> memref<5000xf32, #tpu.memory_space<hbm>>
      %dma_start3A_121 = tpu.memref_slice %arg2[%add3A_119] : memref<6400000xf32, #tpu.memory_space<hbm>> -> memref<5000xf32, #tpu.memory_space<hbm>>
      tpu.enqueue_dma source(%dma_start3A_121 : memref<5000xf32, #tpu.memory_space<hbm>>) target(%arg14 : memref<5000xf32, #tpu.memory_space<vmem>>) target_semaphore(%arg17 : memref<!tpu.dma_semaphore, #tpu.memory_space<semaphore_mem>>)
      %dma_wait3A = tpu.memref_slice %arg2[%add3A_117] : memref<6400000xf32, #tpu.memory_space<hbm>> -> memref<5000xf32, #tpu.memory_space<hbm>>
      %dma_wait3A_122 = tpu.memref_slice %arg2[%add3A_117] : memref<6400000xf32, #tpu.memory_space<hbm>> -> memref<5000xf32, #tpu.memory_space<hbm>>
      tpu.wait_dma2 semaphore(%arg16 : memref<!tpu.dma_semaphore, #tpu.memory_space<semaphore_mem>>) src(%dma_wait3A_122 : memref<5000xf32, #tpu.memory_space<hbm>>) dst(%arg13 : memref<5000xf32, #tpu.memory_space<vmem>>)
      %add3A_123 = arith.addi %mul3A_90, %mul3A_114 : i32
      %dma_start3A_124 = tpu.memref_slice %arg7[%add3A_123] : memref<1602048xf32, #tpu.memory_space<vmem_shared>> -> memref<5000xf32, #tpu.memory_space<vmem_shared>>
      %dma_start3A_125 = tpu.memref_slice %arg7[%add3A_123] : memref<1602048xf32, #tpu.memory_space<vmem_shared>> -> memref<5000xf32, #tpu.memory_space<vmem_shared>>
      tpu.enqueue_dma source(%arg13 : memref<5000xf32, #tpu.memory_space<vmem>>) target(%dma_start3A_125 : memref<5000xf32, #tpu.memory_space<vmem_shared>>) target_semaphore(%arg18 : memref<!tpu.dma_semaphore, #tpu.memory_space<semaphore_mem>>)
      %dma_wait3A_126 = tpu.memref_slice %arg2[%add3A_119] : memref<6400000xf32, #tpu.memory_space<hbm>> -> memref<5000xf32, #tpu.memory_space<hbm>>
      %dma_wait3A_127 = tpu.memref_slice %arg2[%add3A_119] : memref<6400000xf32, #tpu.memory_space<hbm>> -> memref<5000xf32, #tpu.memory_space<hbm>>
      tpu.wait_dma2 semaphore(%arg17 : memref<!tpu.dma_semaphore, #tpu.memory_space<semaphore_mem>>) src(%dma_wait3A_127 : memref<5000xf32, #tpu.memory_space<hbm>>) dst(%arg14 : memref<5000xf32, #tpu.memory_space<vmem>>)
      %add3A_128 = arith.addi %mul3A_90, %add3A_116 : i32
      %dma_start3A_129 = tpu.memref_slice %arg7[%add3A_128] : memref<1602048xf32, #tpu.memory_space<vmem_shared>> -> memref<5000xf32, #tpu.memory_space<vmem_shared>>
      %dma_start3A_130 = tpu.memref_slice %arg7[%add3A_128] : memref<1602048xf32, #tpu.memory_space<vmem_shared>> -> memref<5000xf32, #tpu.memory_space<vmem_shared>>
      tpu.enqueue_dma source(%arg14 : memref<5000xf32, #tpu.memory_space<vmem>>) target(%dma_start3A_130 : memref<5000xf32, #tpu.memory_space<vmem_shared>>) target_semaphore(%arg19 : memref<!tpu.dma_semaphore, #tpu.memory_space<semaphore_mem>>)
      %dma_wait3A_131 = tpu.memref_slice %arg7[%add3A_123] : memref<1602048xf32, #tpu.memory_space<vmem_shared>> -> memref<5000xf32, #tpu.memory_space<vmem_shared>>
      %dma_wait3A_132 = tpu.memref_slice %arg7[%add3A_123] : memref<1602048xf32, #tpu.memory_space<vmem_shared>> -> memref<5000xf32, #tpu.memory_space<vmem_shared>>
      tpu.wait_dma2 semaphore(%arg18 : memref<!tpu.dma_semaphore, #tpu.memory_space<semaphore_mem>>) src(%arg13 : memref<5000xf32, #tpu.memory_space<vmem>>) dst(%dma_wait3A_132 : memref<5000xf32, #tpu.memory_space<vmem_shared>>)
      %dma_wait3A_133 = tpu.memref_slice %arg7[%add3A_128] : memref<1602048xf32, #tpu.memory_space<vmem_shared>> -> memref<5000xf32, #tpu.memory_space<vmem_shared>>
      %dma_wait3A_134 = tpu.memref_slice %arg7[%add3A_128] : memref<1602048xf32, #tpu.memory_space<vmem_shared>> -> memref<5000xf32, #tpu.memory_space<vmem_shared>>
      tpu.wait_dma2 semaphore(%arg19 : memref<!tpu.dma_semaphore, #tpu.memory_space<semaphore_mem>>) src(%arg14 : memref<5000xf32, #tpu.memory_space<vmem>>) dst(%dma_wait3A_134 : memref<5000xf32, #tpu.memory_space<vmem_shared>>)
    }
    %scan3A_95 = arith.constant 10 : i32
    %barrier3A_96 = arith.constant 0 : index
    tpu.barrier barrier_id(%barrier3A_96)
    %scan3A_97 = arith.constant 0 : i32
    %scan3A_98 = arith.constant 8 : i32
    %scan3A_99 = arith.addi %scan3A_97, %scan3A_98 : i32
    %scan3A_100 = arith.constant 1 : i32
    scf.for %scan3A_108 = %scan3A_97 to %scan3A_99 step %scan3A_100  : i32 {
      %mul3A_109 = arith.constant 1 : i32
      %mul3A_110 = arith.muli %scan3A_108, %mul3A_109 : i32
      %add3A_111 = arith.constant 0 : i32
      %add3A_112 = arith.addi %add3A_111, %mul3A_110 : i32
      %mul3A_113 = arith.constant 65536 : i32
      %mul3A_114 = arith.muli %arg1, %mul3A_113 : i32
      %mul3A_115 = arith.constant 2 : i32
      %mul3A_116 = arith.muli %mul3A_115, %add3A_112 : i32
      %mul3A_117 = arith.constant 4096 : i32
      %mul3A_118 = arith.muli %mul3A_116, %mul3A_117 : i32
      %add3A_119 = arith.addi %mul3A_114, %mul3A_118 : i32
      %add3A_120 = arith.constant 4096 : i32
      %add3A_121 = arith.addi %add3A_119, %add3A_120 : i32
      %dma_start3A = tpu.memref_slice %arg3[%add3A_119] : memref<1048576xi32, #tpu.memory_space<hbm>> -> memref<4096xi32, #tpu.memory_space<hbm>>
      %dma_start3A_122 = tpu.memref_slice %arg3[%add3A_119] : memref<1048576xi32, #tpu.memory_space<hbm>> -> memref<4096xi32, #tpu.memory_space<hbm>>
      tpu.enqueue_dma source(%dma_start3A_122 : memref<4096xi32, #tpu.memory_space<hbm>>) target(%arg8 : memref<4096xi32, #tpu.memory_space<vmem>>) target_semaphore(%arg16 : memref<!tpu.dma_semaphore, #tpu.memory_space<semaphore_mem>>)
      %dma_start3A_123 = tpu.memref_slice %arg3[%add3A_121] : memref<1048576xi32, #tpu.memory_space<hbm>> -> memref<4096xi32, #tpu.memory_space<hbm>>
      %dma_start3A_124 = tpu.memref_slice %arg3[%add3A_121] : memref<1048576xi32, #tpu.memory_space<hbm>> -> memref<4096xi32, #tpu.memory_space<hbm>>
      tpu.enqueue_dma source(%dma_start3A_124 : memref<4096xi32, #tpu.memory_space<hbm>>) target(%arg9 : memref<4096xi32, #tpu.memory_space<vmem>>) target_semaphore(%arg17 : memref<!tpu.dma_semaphore, #tpu.memory_space<semaphore_mem>>)
      %dma_wait3A = tpu.memref_slice %arg3[%add3A_119] : memref<1048576xi32, #tpu.memory_space<hbm>> -> memref<4096xi32, #tpu.memory_space<hbm>>
      %dma_wait3A_125 = tpu.memref_slice %arg3[%add3A_119] : memref<1048576xi32, #tpu.memory_space<hbm>> -> memref<4096xi32, #tpu.memory_space<hbm>>
      tpu.wait_dma2 semaphore(%arg16 : memref<!tpu.dma_semaphore, #tpu.memory_space<semaphore_mem>>) src(%dma_wait3A_125 : memref<4096xi32, #tpu.memory_space<hbm>>) dst(%arg8 : memref<4096xi32, #tpu.memory_space<vmem>>)
      %parallel_loop3A = arith.constant 0 : i32
      %parallel_loop3A_126 = arith.constant 64 : i32
      %parallel_loop3A_127 = arith.constant 1 : i32
      scf.for %parallel_loop3A_141 = %parallel_loop3A to %parallel_loop3A_126 step %parallel_loop3A_127  : i32 {
        %parallel_loop3A_142 = arith.constant 64 : i32
        %parallel_loop3A_143 = arith.muli %parallel_loop3A_141, %parallel_loop3A_142 : i32
        %parallel_loop3A_144 = arith.constant 0 : i32
        %parallel_loop3A_145 = arith.addi %parallel_loop3A_143, %parallel_loop3A_144 : i32
        %parallel_loop3A_146 = arith.index_cast %parallel_loop3A_145 : i32 to index
        %parallel_loop3A_147 = tpu.vector_load %arg8[%parallel_loop3A_146] {strides = array<i32>} : memref<4096xi32, #tpu.memory_space<vmem>>, vector<16xi32>,
        %parallel_loop3A_148 = vector.shape_cast %parallel_loop3A_147 : vector<16xi32> to vector<16xi32>
        %parallel_loop3A_149 = arith.constant 64 : i32
        %parallel_loop3A_150 = vector.broadcast %parallel_loop3A_149 : i32 to vector<16xi32>
        %parallel_loop3A_151 = arith.muli %parallel_loop3A_148, %parallel_loop3A_150 : vector<16xi32>
        %parallel_loop3A_152 = arith.addi %parallel_loop3A_151, %add3A_64 : vector<16xi32>
        %parallel_loop3A_153 = vector.bitcast %parallel_loop3A_152 : vector<16xi32> to vector<16xi32>
        %parallel_loop3A_154 = arith.constant 1600000 : i32
        %parallel_loop3A_155 = vector.broadcast %parallel_loop3A_154 : i32 to vector<16xi32>
        %parallel_loop3A_156 = arith.cmpi ult, %parallel_loop3A_153, %parallel_loop3A_155 : vector<16xi32>
        %parallel_loop3A_157 = arith.constant 4 : i32
        %parallel_loop3A_158 = arith.muli %parallel_loop3A_141, %parallel_loop3A_157 : i32
        %parallel_loop3A_159 = arith.constant 0 : i32
        %parallel_loop3A_160 = arith.addi %parallel_loop3A_158, %parallel_loop3A_159 : i32
        %parallel_loop3A_161 = arith.constant 7 : i32
        %parallel_loop3A_162 = arith.andi %parallel_loop3A_160, %parallel_loop3A_161 : i32
        %parallel_loop3A_163 = arith.constant 16 : i32
        %parallel_loop3A_164 = arith.muli %parallel_loop3A_162, %parallel_loop3A_163 : i32
        %parallel_loop3A_165 = vector.broadcast %parallel_loop3A_164 : i32 to vector<16xi32>
        %parallel_loop3A_166 = arith.addi %add3A_85, %parallel_loop3A_165 : vector<16xi32>
        %parallel_loop3A_167 = arith.select %parallel_loop3A_156, %parallel_loop3A_152, %parallel_loop3A_166 : vector<16xi1>, vector<16xi32>
        %parallel_loop3A_168 = arith.constant 64 : i32
        %parallel_loop3A_169 = arith.muli %parallel_loop3A_141, %parallel_loop3A_168 : i32
        %parallel_loop3A_170 = arith.constant 0 : i32
        %parallel_loop3A_171 = arith.addi %parallel_loop3A_169, %parallel_loop3A_170 : i32
        %parallel_loop3A_172 = arith.index_cast %parallel_loop3A_171 : i32 to index
        %parallel_loop3A_173 = tpu.vector_load %arg10[%parallel_loop3A_172] {strides = array<i32>} : memref<4096xi32, #tpu.memory_space<vmem>>, vector<16xi32>,
        %parallel_loop3A_174 = vector.shape_cast %parallel_loop3A_173 : vector<16xi32> to vector<16xi32>
        %parallel_loop3A_175 = vector.shape_cast %parallel_loop3A_167 : vector<16xi32> to vector<16xi32>
        tpu.vector_store %arg10[%parallel_loop3A_172], %parallel_loop3A_175 {strides = array<i32>} : memref<4096xi32, #tpu.memory_space<vmem>>, vector<16xi32>,
        %parallel_loop3A_176 = arith.constant 64 : i32
        %parallel_loop3A_177 = arith.muli %parallel_loop3A_141, %parallel_loop3A_176 : i32
        %parallel_loop3A_178 = arith.constant 16 : i32
        %parallel_loop3A_179 = arith.addi %parallel_loop3A_177, %parallel_loop3A_178 : i32
        %parallel_loop3A_180 = arith.index_cast %parallel_loop3A_179 : i32 to index
        %parallel_loop3A_181 = tpu.vector_load %arg8[%parallel_loop3A_180] {strides = array<i32>} : memref<4096xi32, #tpu.memory_space<vmem>>, vector<16xi32>,
        %parallel_loop3A_182 = vector.shape_cast %parallel_loop3A_181 : vector<16xi32> to vector<16xi32>
        %parallel_loop3A_183 = arith.constant 64 : i32
        %parallel_loop3A_184 = vector.broadcast %parallel_loop3A_183 : i32 to vector<16xi32>
        %parallel_loop3A_185 = arith.muli %parallel_loop3A_182, %parallel_loop3A_184 : vector<16xi32>
        %parallel_loop3A_186 = arith.addi %parallel_loop3A_185, %add3A_69 : vector<16xi32>
        %parallel_loop3A_187 = vector.bitcast %parallel_loop3A_186 : vector<16xi32> to vector<16xi32>
        %parallel_loop3A_188 = arith.constant 1600000 : i32
        %parallel_loop3A_189 = vector.broadcast %parallel_loop3A_188 : i32 to vector<16xi32>
        %parallel_loop3A_190 = arith.cmpi ult, %parallel_loop3A_187, %parallel_loop3A_189 : vector<16xi32>
        %parallel_loop3A_191 = arith.constant 4 : i32
        %parallel_loop3A_192 = arith.muli %parallel_loop3A_141, %parallel_loop3A_191 : i32
        %parallel_loop3A_193 = arith.constant 1 : i32
        %parallel_loop3A_194 = arith.addi %parallel_loop3A_192, %parallel_loop3A_193 : i32
        %parallel_loop3A_195 = arith.constant 7 : i32
        %parallel_loop3A_196 = arith.andi %parallel_loop3A_194, %parallel_loop3A_195 : i32
        %parallel_loop3A_197 = arith.constant 16 : i32
        %parallel_loop3A_198 = arith.muli %parallel_loop3A_196, %parallel_loop3A_197 : i32
        %parallel_loop3A_199 = vector.broadcast %parallel_loop3A_198 : i32 to vector<16xi32>
        %parallel_loop3A_200 = arith.addi %add3A_85, %parallel_loop3A_199 : vector<16xi32>
        %parallel_loop3A_201 = arith.select %parallel_loop3A_190, %parallel_loop3A_186, %parallel_loop3A_200 : vector<16xi1>, vector<16xi32>
        %parallel_loop3A_202 = arith.constant 64 : i32
        %parallel_loop3A_203 = arith.muli %parallel_loop3A_141, %parallel_loop3A_202 : i32
        %parallel_loop3A_204 = arith.constant 16 : i32
        %parallel_loop3A_205 = arith.addi %parallel_loop3A_203, %parallel_loop3A_204 : i32
        %parallel_loop3A_206 = arith.index_cast %parallel_loop3A_205 : i32 to index
        %parallel_loop3A_207 = tpu.vector_load %arg10[%parallel_loop3A_206] {strides = array<i32>} : memref<4096xi32, #tpu.memory_space<vmem>>, vector<16xi32>,
        %parallel_loop3A_208 = vector.shape_cast %parallel_loop3A_207 : vector<16xi32> to vector<16xi32>
        %parallel_loop3A_209 = vector.shape_cast %parallel_loop3A_201 : vector<16xi32> to vector<16xi32>
        tpu.vector_store %arg10[%parallel_loop3A_206], %parallel_loop3A_209 {strides = array<i32>} : memref<4096xi32, #tpu.memory_space<vmem>>, vector<16xi32>,
        %parallel_loop3A_210 = arith.constant 64 : i32
        %parallel_loop3A_211 = arith.muli %parallel_loop3A_141, %parallel_loop3A_210 : i32
        %parallel_loop3A_212 = arith.constant 32 : i32
        %parallel_loop3A_213 = arith.addi %parallel_loop3A_211, %parallel_loop3A_212 : i32
        %parallel_loop3A_214 = arith.index_cast %parallel_loop3A_213 : i32 to index
        %parallel_loop3A_215 = tpu.vector_load %arg8[%parallel_loop3A_214] {strides = array<i32>} : memref<4096xi32, #tpu.memory_space<vmem>>, vector<16xi32>,
        %parallel_loop3A_216 = vector.shape_cast %parallel_loop3A_215 : vector<16xi32> to vector<16xi32>
        %parallel_loop3A_217 = arith.constant 64 : i32
        %parallel_loop3A_218 = vector.broadcast %parallel_loop3A_217 : i32 to vector<16xi32>
        %parallel_loop3A_219 = arith.muli %parallel_loop3A_216, %parallel_loop3A_218 : vector<16xi32>
        %parallel_loop3A_220 = arith.addi %parallel_loop3A_219, %add3A_74 : vector<16xi32>
        %parallel_loop3A_221 = vector.bitcast %parallel_loop3A_220 : vector<16xi32> to vector<16xi32>
        %parallel_loop3A_222 = arith.constant 1600000 : i32
        %parallel_loop3A_223 = vector.broadcast %parallel_loop3A_222 : i32 to vector<16xi32>
        %parallel_loop3A_224 = arith.cmpi ult, %parallel_loop3A_221, %parallel_loop3A_223 : vector<16xi32>
        %parallel_loop3A_225 = arith.constant 4 : i32
        %parallel_loop3A_226 = arith.muli %parallel_loop3A_141, %parallel_loop3A_225 : i32
        %parallel_loop3A_227 = arith.constant 2 : i32
        %parallel_loop3A_228 = arith.addi %parallel_loop3A_226, %parallel_loop3A_227 : i32
        %parallel_loop3A_229 = arith.constant 7 : i32
        %parallel_loop3A_230 = arith.andi %parallel_loop3A_228, %parallel_loop3A_229 : i32
        %parallel_loop3A_231 = arith.constant 16 : i32
        %parallel_loop3A_232 = arith.muli %parallel_loop3A_230, %parallel_loop3A_231 : i32
        %parallel_loop3A_233 = vector.broadcast %parallel_loop3A_232 : i32 to vector<16xi32>
        %parallel_loop3A_234 = arith.addi %add3A_85, %parallel_loop3A_233 : vector<16xi32>
        %parallel_loop3A_235 = arith.select %parallel_loop3A_224, %parallel_loop3A_220, %parallel_loop3A_234 : vector<16xi1>, vector<16xi32>
        %parallel_loop3A_236 = arith.constant 64 : i32
        %parallel_loop3A_237 = arith.muli %parallel_loop3A_141, %parallel_loop3A_236 : i32
        %parallel_loop3A_238 = arith.constant 32 : i32
        %parallel_loop3A_239 = arith.addi %parallel_loop3A_237, %parallel_loop3A_238 : i32
        %parallel_loop3A_240 = arith.index_cast %parallel_loop3A_239 : i32 to index
        %parallel_loop3A_241 = tpu.vector_load %arg10[%parallel_loop3A_240] {strides = array<i32>} : memref<4096xi32, #tpu.memory_space<vmem>>, vector<16xi32>,
        %parallel_loop3A_242 = vector.shape_cast %parallel_loop3A_241 : vector<16xi32> to vector<16xi32>
        %parallel_loop3A_243 = vector.shape_cast %parallel_loop3A_235 : vector<16xi32> to vector<16xi32>
        tpu.vector_store %arg10[%parallel_loop3A_240], %parallel_loop3A_243 {strides = array<i32>} : memref<4096xi32, #tpu.memory_space<vmem>>, vector<16xi32>,
        %parallel_loop3A_244 = arith.constant 64 : i32
        %parallel_loop3A_245 = arith.muli %parallel_loop3A_141, %parallel_loop3A_244 : i32
        %parallel_loop3A_246 = arith.constant 48 : i32
        %parallel_loop3A_247 = arith.addi %parallel_loop3A_245, %parallel_loop3A_246 : i32
        %parallel_loop3A_248 = arith.index_cast %parallel_loop3A_247 : i32 to index
        %parallel_loop3A_249 = tpu.vector_load %arg8[%parallel_loop3A_248] {strides = array<i32>} : memref<4096xi32, #tpu.memory_space<vmem>>, vector<16xi32>,
        %parallel_loop3A_250 = vector.shape_cast %parallel_loop3A_249 : vector<16xi32> to vector<16xi32>
        %parallel_loop3A_251 = arith.constant 64 : i32
        %parallel_loop3A_252 = vector.broadcast %parallel_loop3A_251 : i32 to vector<16xi32>
        %parallel_loop3A_253 = arith.muli %parallel_loop3A_250, %parallel_loop3A_252 : vector<16xi32>
        %parallel_loop3A_254 = arith.addi %parallel_loop3A_253, %add3A_79 : vector<16xi32>
        %parallel_loop3A_255 = vector.bitcast %parallel_loop3A_254 : vector<16xi32> to vector<16xi32>
        %parallel_loop3A_256 = arith.constant 1600000 : i32
        %parallel_loop3A_257 = vector.broadcast %parallel_loop3A_256 : i32 to vector<16xi32>
        %parallel_loop3A_258 = arith.cmpi ult, %parallel_loop3A_255, %parallel_loop3A_257 : vector<16xi32>
        %parallel_loop3A_259 = arith.constant 4 : i32
        %parallel_loop3A_260 = arith.muli %parallel_loop3A_141, %parallel_loop3A_259 : i32
        %parallel_loop3A_261 = arith.constant 3 : i32
        %parallel_loop3A_262 = arith.addi %parallel_loop3A_260, %parallel_loop3A_261 : i32
        %parallel_loop3A_263 = arith.constant 7 : i32
        %parallel_loop3A_264 = arith.andi %parallel_loop3A_262, %parallel_loop3A_263 : i32
        %parallel_loop3A_265 = arith.constant 16 : i32
        %parallel_loop3A_266 = arith.muli %parallel_loop3A_264, %parallel_loop3A_265 : i32
        %parallel_loop3A_267 = vector.broadcast %parallel_loop3A_266 : i32 to vector<16xi32>
        %parallel_loop3A_268 = arith.addi %add3A_85, %parallel_loop3A_267 : vector<16xi32>
        %parallel_loop3A_269 = arith.select %parallel_loop3A_258, %parallel_loop3A_254, %parallel_loop3A_268 : vector<16xi1>, vector<16xi32>
        %parallel_loop3A_270 = arith.constant 64 : i32
        %parallel_loop3A_271 = arith.muli %parallel_loop3A_141, %parallel_loop3A_270 : i32
        %parallel_loop3A_272 = arith.constant 48 : i32
        %parallel_loop3A_273 = arith.addi %parallel_loop3A_271, %parallel_loop3A_272 : i32
        %parallel_loop3A_274 = arith.index_cast %parallel_loop3A_273 : i32 to index
        %parallel_loop3A_275 = tpu.vector_load %arg10[%parallel_loop3A_274] {strides = array<i32>} : memref<4096xi32, #tpu.memory_space<vmem>>, vector<16xi32>,
        %parallel_loop3A_276 = vector.shape_cast %parallel_loop3A_275 : vector<16xi32> to vector<16xi32>
        %parallel_loop3A_277 = vector.shape_cast %parallel_loop3A_269 : vector<16xi32> to vector<16xi32>
        tpu.vector_store %arg10[%parallel_loop3A_274], %parallel_loop3A_277 {strides = array<i32>} : memref<4096xi32, #tpu.memory_space<vmem>>, vector<16xi32>,
      } {sc.loop_unroll_factor = 2 : i64, sc.parallel_access}
      %dma_start3A_128 = arith.constant 0 : i32
      %dma_start3A_129 = tpu.memref_slice %arg7[%dma_start3A_128] : memref<1602048xf32, #tpu.memory_space<vmem_shared>> -> memref<1602048xf32, #tpu.memory_space<vmem_shared>>
      tpu.enqueue_indirect_dma source(%arg12 : memref<4096xf32, #tpu.memory_space<vmem>>) target(%dma_start3A_129 : memref<1602048xf32, #tpu.memory_space<vmem_shared>>) offsets(%arg10 : memref<4096xi32, #tpu.memory_space<vmem>>) semaphore(%arg18 : memref<!tpu.dma_semaphore, #tpu.memory_space<semaphore_mem>>) {add = true}
      %dma_wait3A_130 = tpu.memref_slice %arg3[%add3A_121] : memref<1048576xi32, #tpu.memory_space<hbm>> -> memref<4096xi32, #tpu.memory_space<hbm>>
      %dma_wait3A_131 = tpu.memref_slice %arg3[%add3A_121] : memref<1048576xi32, #tpu.memory_space<hbm>> -> memref<4096xi32, #tpu.memory_space<hbm>>
      tpu.wait_dma2 semaphore(%arg17 : memref<!tpu.dma_semaphore, #tpu.memory_space<semaphore_mem>>) src(%dma_wait3A_131 : memref<4096xi32, #tpu.memory_space<hbm>>) dst(%arg9 : memref<4096xi32, #tpu.memory_space<vmem>>)
      %parallel_loop3A_132 = arith.constant 0 : i32
      %parallel_loop3A_133 = arith.constant 64 : i32
      %parallel_loop3A_134 = arith.constant 1 : i32
      scf.for %parallel_loop3A_141 = %parallel_loop3A_132 to %parallel_loop3A_133 step %parallel_loop3A_134  : i32 {
        %parallel_loop3A_142 = arith.constant 64 : i32
        %parallel_loop3A_143 = arith.muli %parallel_loop3A_141, %parallel_loop3A_142 : i32
        %parallel_loop3A_144 = arith.constant 0 : i32
        %parallel_loop3A_145 = arith.addi %parallel_loop3A_143, %parallel_loop3A_144 : i32
        %parallel_loop3A_146 = arith.index_cast %parallel_loop3A_145 : i32 to index
        %parallel_loop3A_147 = tpu.vector_load %arg9[%parallel_loop3A_146] {strides = array<i32>} : memref<4096xi32, #tpu.memory_space<vmem>>, vector<16xi32>,
        %parallel_loop3A_148 = vector.shape_cast %parallel_loop3A_147 : vector<16xi32> to vector<16xi32>
        %parallel_loop3A_149 = arith.constant 64 : i32
        %parallel_loop3A_150 = vector.broadcast %parallel_loop3A_149 : i32 to vector<16xi32>
        %parallel_loop3A_151 = arith.muli %parallel_loop3A_148, %parallel_loop3A_150 : vector<16xi32>
        %parallel_loop3A_152 = arith.addi %parallel_loop3A_151, %add3A_64 : vector<16xi32>
        %parallel_loop3A_153 = vector.bitcast %parallel_loop3A_152 : vector<16xi32> to vector<16xi32>
        %parallel_loop3A_154 = arith.constant 1600000 : i32
        %parallel_loop3A_155 = vector.broadcast %parallel_loop3A_154 : i32 to vector<16xi32>
        %parallel_loop3A_156 = arith.cmpi ult, %parallel_loop3A_153, %parallel_loop3A_155 : vector<16xi32>
        %parallel_loop3A_157 = arith.constant 4 : i32
        %parallel_loop3A_158 = arith.muli %parallel_loop3A_141, %parallel_loop3A_157 : i32
        %parallel_loop3A_159 = arith.constant 0 : i32
        %parallel_loop3A_160 = arith.addi %parallel_loop3A_158, %parallel_loop3A_159 : i32
        %parallel_loop3A_161 = arith.constant 7 : i32
        %parallel_loop3A_162 = arith.andi %parallel_loop3A_160, %parallel_loop3A_161 : i32
        %parallel_loop3A_163 = arith.constant 16 : i32
        %parallel_loop3A_164 = arith.muli %parallel_loop3A_162, %parallel_loop3A_163 : i32
        %parallel_loop3A_165 = vector.broadcast %parallel_loop3A_164 : i32 to vector<16xi32>
        %parallel_loop3A_166 = arith.addi %add3A_85, %parallel_loop3A_165 : vector<16xi32>
        %parallel_loop3A_167 = arith.select %parallel_loop3A_156, %parallel_loop3A_152, %parallel_loop3A_166 : vector<16xi1>, vector<16xi32>
        %parallel_loop3A_168 = arith.constant 64 : i32
        %parallel_loop3A_169 = arith.muli %parallel_loop3A_141, %parallel_loop3A_168 : i32
        %parallel_loop3A_170 = arith.constant 0 : i32
        %parallel_loop3A_171 = arith.addi %parallel_loop3A_169, %parallel_loop3A_170 : i32
        %parallel_loop3A_172 = arith.index_cast %parallel_loop3A_171 : i32 to index
        %parallel_loop3A_173 = tpu.vector_load %arg11[%parallel_loop3A_172] {strides = array<i32>} : memref<4096xi32, #tpu.memory_space<vmem>>, vector<16xi32>,
        %parallel_loop3A_174 = vector.shape_cast %parallel_loop3A_173 : vector<16xi32> to vector<16xi32>
        %parallel_loop3A_175 = vector.shape_cast %parallel_loop3A_167 : vector<16xi32> to vector<16xi32>
        tpu.vector_store %arg11[%parallel_loop3A_172], %parallel_loop3A_175 {strides = array<i32>} : memref<4096xi32, #tpu.memory_space<vmem>>, vector<16xi32>,
        %parallel_loop3A_176 = arith.constant 64 : i32
        %parallel_loop3A_177 = arith.muli %parallel_loop3A_141, %parallel_loop3A_176 : i32
        %parallel_loop3A_178 = arith.constant 16 : i32
        %parallel_loop3A_179 = arith.addi %parallel_loop3A_177, %parallel_loop3A_178 : i32
        %parallel_loop3A_180 = arith.index_cast %parallel_loop3A_179 : i32 to index
        %parallel_loop3A_181 = tpu.vector_load %arg9[%parallel_loop3A_180] {strides = array<i32>} : memref<4096xi32, #tpu.memory_space<vmem>>, vector<16xi32>,
        %parallel_loop3A_182 = vector.shape_cast %parallel_loop3A_181 : vector<16xi32> to vector<16xi32>
        %parallel_loop3A_183 = arith.constant 64 : i32
        %parallel_loop3A_184 = vector.broadcast %parallel_loop3A_183 : i32 to vector<16xi32>
        %parallel_loop3A_185 = arith.muli %parallel_loop3A_182, %parallel_loop3A_184 : vector<16xi32>
        %parallel_loop3A_186 = arith.addi %parallel_loop3A_185, %add3A_69 : vector<16xi32>
        %parallel_loop3A_187 = vector.bitcast %parallel_loop3A_186 : vector<16xi32> to vector<16xi32>
        %parallel_loop3A_188 = arith.constant 1600000 : i32
        %parallel_loop3A_189 = vector.broadcast %parallel_loop3A_188 : i32 to vector<16xi32>
        %parallel_loop3A_190 = arith.cmpi ult, %parallel_loop3A_187, %parallel_loop3A_189 : vector<16xi32>
        %parallel_loop3A_191 = arith.constant 4 : i32
        %parallel_loop3A_192 = arith.muli %parallel_loop3A_141, %parallel_loop3A_191 : i32
        %parallel_loop3A_193 = arith.constant 1 : i32
        %parallel_loop3A_194 = arith.addi %parallel_loop3A_192, %parallel_loop3A_193 : i32
        %parallel_loop3A_195 = arith.constant 7 : i32
        %parallel_loop3A_196 = arith.andi %parallel_loop3A_194, %parallel_loop3A_195 : i32
        %parallel_loop3A_197 = arith.constant 16 : i32
        %parallel_loop3A_198 = arith.muli %parallel_loop3A_196, %parallel_loop3A_197 : i32
        %parallel_loop3A_199 = vector.broadcast %parallel_loop3A_198 : i32 to vector<16xi32>
        %parallel_loop3A_200 = arith.addi %add3A_85, %parallel_loop3A_199 : vector<16xi32>
        %parallel_loop3A_201 = arith.select %parallel_loop3A_190, %parallel_loop3A_186, %parallel_loop3A_200 : vector<16xi1>, vector<16xi32>
        %parallel_loop3A_202 = arith.constant 64 : i32
        %parallel_loop3A_203 = arith.muli %parallel_loop3A_141, %parallel_loop3A_202 : i32
        %parallel_loop3A_204 = arith.constant 16 : i32
        %parallel_loop3A_205 = arith.addi %parallel_loop3A_203, %parallel_loop3A_204 : i32
        %parallel_loop3A_206 = arith.index_cast %parallel_loop3A_205 : i32 to index
        %parallel_loop3A_207 = tpu.vector_load %arg11[%parallel_loop3A_206] {strides = array<i32>} : memref<4096xi32, #tpu.memory_space<vmem>>, vector<16xi32>,
        %parallel_loop3A_208 = vector.shape_cast %parallel_loop3A_207 : vector<16xi32> to vector<16xi32>
        %parallel_loop3A_209 = vector.shape_cast %parallel_loop3A_201 : vector<16xi32> to vector<16xi32>
        tpu.vector_store %arg11[%parallel_loop3A_206], %parallel_loop3A_209 {strides = array<i32>} : memref<4096xi32, #tpu.memory_space<vmem>>, vector<16xi32>,
        %parallel_loop3A_210 = arith.constant 64 : i32
        %parallel_loop3A_211 = arith.muli %parallel_loop3A_141, %parallel_loop3A_210 : i32
        %parallel_loop3A_212 = arith.constant 32 : i32
        %parallel_loop3A_213 = arith.addi %parallel_loop3A_211, %parallel_loop3A_212 : i32
        %parallel_loop3A_214 = arith.index_cast %parallel_loop3A_213 : i32 to index
        %parallel_loop3A_215 = tpu.vector_load %arg9[%parallel_loop3A_214] {strides = array<i32>} : memref<4096xi32, #tpu.memory_space<vmem>>, vector<16xi32>,
        %parallel_loop3A_216 = vector.shape_cast %parallel_loop3A_215 : vector<16xi32> to vector<16xi32>
        %parallel_loop3A_217 = arith.constant 64 : i32
        %parallel_loop3A_218 = vector.broadcast %parallel_loop3A_217 : i32 to vector<16xi32>
        %parallel_loop3A_219 = arith.muli %parallel_loop3A_216, %parallel_loop3A_218 : vector<16xi32>
        %parallel_loop3A_220 = arith.addi %parallel_loop3A_219, %add3A_74 : vector<16xi32>
        %parallel_loop3A_221 = vector.bitcast %parallel_loop3A_220 : vector<16xi32> to vector<16xi32>
        %parallel_loop3A_222 = arith.constant 1600000 : i32
        %parallel_loop3A_223 = vector.broadcast %parallel_loop3A_222 : i32 to vector<16xi32>
        %parallel_loop3A_224 = arith.cmpi ult, %parallel_loop3A_221, %parallel_loop3A_223 : vector<16xi32>
        %parallel_loop3A_225 = arith.constant 4 : i32
        %parallel_loop3A_226 = arith.muli %parallel_loop3A_141, %parallel_loop3A_225 : i32
        %parallel_loop3A_227 = arith.constant 2 : i32
        %parallel_loop3A_228 = arith.addi %parallel_loop3A_226, %parallel_loop3A_227 : i32
        %parallel_loop3A_229 = arith.constant 7 : i32
        %parallel_loop3A_230 = arith.andi %parallel_loop3A_228, %parallel_loop3A_229 : i32
        %parallel_loop3A_231 = arith.constant 16 : i32
        %parallel_loop3A_232 = arith.muli %parallel_loop3A_230, %parallel_loop3A_231 : i32
        %parallel_loop3A_233 = vector.broadcast %parallel_loop3A_232 : i32 to vector<16xi32>
        %parallel_loop3A_234 = arith.addi %add3A_85, %parallel_loop3A_233 : vector<16xi32>
        %parallel_loop3A_235 = arith.select %parallel_loop3A_224, %parallel_loop3A_220, %parallel_loop3A_234 : vector<16xi1>, vector<16xi32>
        %parallel_loop3A_236 = arith.constant 64 : i32
        %parallel_loop3A_237 = arith.muli %parallel_loop3A_141, %parallel_loop3A_236 : i32
        %parallel_loop3A_238 = arith.constant 32 : i32
        %parallel_loop3A_239 = arith.addi %parallel_loop3A_237, %parallel_loop3A_238 : i32
        %parallel_loop3A_240 = arith.index_cast %parallel_loop3A_239 : i32 to index
        %parallel_loop3A_241 = tpu.vector_load %arg11[%parallel_loop3A_240] {strides = array<i32>} : memref<4096xi32, #tpu.memory_space<vmem>>, vector<16xi32>,
        %parallel_loop3A_242 = vector.shape_cast %parallel_loop3A_241 : vector<16xi32> to vector<16xi32>
        %parallel_loop3A_243 = vector.shape_cast %parallel_loop3A_235 : vector<16xi32> to vector<16xi32>
        tpu.vector_store %arg11[%parallel_loop3A_240], %parallel_loop3A_243 {strides = array<i32>} : memref<4096xi32, #tpu.memory_space<vmem>>, vector<16xi32>,
        %parallel_loop3A_244 = arith.constant 64 : i32
        %parallel_loop3A_245 = arith.muli %parallel_loop3A_141, %parallel_loop3A_244 : i32
        %parallel_loop3A_246 = arith.constant 48 : i32
        %parallel_loop3A_247 = arith.addi %parallel_loop3A_245, %parallel_loop3A_246 : i32
        %parallel_loop3A_248 = arith.index_cast %parallel_loop3A_247 : i32 to index
        %parallel_loop3A_249 = tpu.vector_load %arg9[%parallel_loop3A_248] {strides = array<i32>} : memref<4096xi32, #tpu.memory_space<vmem>>, vector<16xi32>,
        %parallel_loop3A_250 = vector.shape_cast %parallel_loop3A_249 : vector<16xi32> to vector<16xi32>
        %parallel_loop3A_251 = arith.constant 64 : i32
        %parallel_loop3A_252 = vector.broadcast %parallel_loop3A_251 : i32 to vector<16xi32>
        %parallel_loop3A_253 = arith.muli %parallel_loop3A_250, %parallel_loop3A_252 : vector<16xi32>
        %parallel_loop3A_254 = arith.addi %parallel_loop3A_253, %add3A_79 : vector<16xi32>
        %parallel_loop3A_255 = vector.bitcast %parallel_loop3A_254 : vector<16xi32> to vector<16xi32>
        %parallel_loop3A_256 = arith.constant 1600000 : i32
        %parallel_loop3A_257 = vector.broadcast %parallel_loop3A_256 : i32 to vector<16xi32>
        %parallel_loop3A_258 = arith.cmpi ult, %parallel_loop3A_255, %parallel_loop3A_257 : vector<16xi32>
        %parallel_loop3A_259 = arith.constant 4 : i32
        %parallel_loop3A_260 = arith.muli %parallel_loop3A_141, %parallel_loop3A_259 : i32
        %parallel_loop3A_261 = arith.constant 3 : i32
        %parallel_loop3A_262 = arith.addi %parallel_loop3A_260, %parallel_loop3A_261 : i32
        %parallel_loop3A_263 = arith.constant 7 : i32
        %parallel_loop3A_264 = arith.andi %parallel_loop3A_262, %parallel_loop3A_263 : i32
        %parallel_loop3A_265 = arith.constant 16 : i32
        %parallel_loop3A_266 = arith.muli %parallel_loop3A_264, %parallel_loop3A_265 : i32
        %parallel_loop3A_267 = vector.broadcast %parallel_loop3A_266 : i32 to vector<16xi32>
        %parallel_loop3A_268 = arith.addi %add3A_85, %parallel_loop3A_267 : vector<16xi32>
        %parallel_loop3A_269 = arith.select %parallel_loop3A_258, %parallel_loop3A_254, %parallel_loop3A_268 : vector<16xi1>, vector<16xi32>
        %parallel_loop3A_270 = arith.constant 64 : i32
        %parallel_loop3A_271 = arith.muli %parallel_loop3A_141, %parallel_loop3A_270 : i32
        %parallel_loop3A_272 = arith.constant 48 : i32
        %parallel_loop3A_273 = arith.addi %parallel_loop3A_271, %parallel_loop3A_272 : i32
        %parallel_loop3A_274 = arith.index_cast %parallel_loop3A_273 : i32 to index
        %parallel_loop3A_275 = tpu.vector_load %arg11[%parallel_loop3A_274] {strides = array<i32>} : memref<4096xi32, #tpu.memory_space<vmem>>, vector<16xi32>,
        %parallel_loop3A_276 = vector.shape_cast %parallel_loop3A_275 : vector<16xi32> to vector<16xi32>
        %parallel_loop3A_277 = vector.shape_cast %parallel_loop3A_269 : vector<16xi32> to vector<16xi32>
        tpu.vector_store %arg11[%parallel_loop3A_274], %parallel_loop3A_277 {strides = array<i32>} : memref<4096xi32, #tpu.memory_space<vmem>>, vector<16xi32>,
      } {sc.loop_unroll_factor = 2 : i64, sc.parallel_access}
      %dma_start3A_135 = arith.constant 0 : i32
      %dma_start3A_136 = tpu.memref_slice %arg7[%dma_start3A_135] : memref<1602048xf32, #tpu.memory_space<vmem_shared>> -> memref<1602048xf32, #tpu.memory_space<vmem_shared>>
      tpu.enqueue_indirect_dma source(%arg12 : memref<4096xf32, #tpu.memory_space<vmem>>) target(%dma_start3A_136 : memref<1602048xf32, #tpu.memory_space<vmem_shared>>) offsets(%arg11 : memref<4096xi32, #tpu.memory_space<vmem>>) semaphore(%arg19 : memref<!tpu.dma_semaphore, #tpu.memory_space<semaphore_mem>>) {add = true}
      %dma_wait3A_137 = arith.constant 0 : i32
      %dma_wait3A_138 = tpu.memref_slice %arg7[%dma_wait3A_137] : memref<1602048xf32, #tpu.memory_space<vmem_shared>> -> memref<1602048xf32, #tpu.memory_space<vmem_shared>>
      tpu.wait_indirect_dma semaphore(%arg18 : memref<!tpu.dma_semaphore, #tpu.memory_space<semaphore_mem>>) src(%arg12 : memref<4096xf32, #tpu.memory_space<vmem>>) dst(%dma_wait3A_138 : memref<1602048xf32, #tpu.memory_space<vmem_shared>>)
      %dma_wait3A_139 = arith.constant 0 : i32
      %dma_wait3A_140 = tpu.memref_slice %arg7[%dma_wait3A_139] : memref<1602048xf32, #tpu.memory_space<vmem_shared>> -> memref<1602048xf32, #tpu.memory_space<vmem_shared>>
      tpu.wait_indirect_dma semaphore(%arg19 : memref<!tpu.dma_semaphore, #tpu.memory_space<semaphore_mem>>) src(%arg12 : memref<4096xf32, #tpu.memory_space<vmem>>) dst(%dma_wait3A_140 : memref<1602048xf32, #tpu.memory_space<vmem_shared>>)
    }
    %scan3A_101 = arith.constant 8 : i32
    %barrier3A_102 = arith.constant 0 : index
    tpu.barrier barrier_id(%barrier3A_102)
    %scan3A_103 = arith.constant 0 : i32
    %scan3A_104 = arith.constant 10 : i32
    %scan3A_105 = arith.addi %scan3A_103, %scan3A_104 : i32
    %scan3A_106 = arith.constant 1 : i32
    scf.for %scan3A_108 = %scan3A_103 to %scan3A_105 step %scan3A_106  : i32 {
      %mul3A_109 = arith.constant 1 : i32
      %mul3A_110 = arith.muli %scan3A_108, %mul3A_109 : i32
      %add3A_111 = arith.constant 0 : i32
      %add3A_112 = arith.addi %add3A_111, %mul3A_110 : i32
      %mul3A_113 = arith.constant 10000 : i32
      %mul3A_114 = arith.muli %add3A_112, %mul3A_113 : i32
      %add3A_115 = arith.constant 5000 : i32
      %add3A_116 = arith.addi %mul3A_114, %add3A_115 : i32
      %add3A_117 = arith.addi %mul3A_90, %mul3A_114 : i32
      %dma_start3A = tpu.memref_slice %arg7[%add3A_117] : memref<1602048xf32, #tpu.memory_space<vmem_shared>> -> memref<5000xf32, #tpu.memory_space<vmem_shared>>
      %dma_start3A_118 = tpu.memref_slice %arg7[%add3A_117] : memref<1602048xf32, #tpu.memory_space<vmem_shared>> -> memref<5000xf32, #tpu.memory_space<vmem_shared>>
      tpu.enqueue_dma source(%dma_start3A_118 : memref<5000xf32, #tpu.memory_space<vmem_shared>>) target(%arg13 : memref<5000xf32, #tpu.memory_space<vmem>>) target_semaphore(%arg16 : memref<!tpu.dma_semaphore, #tpu.memory_space<semaphore_mem>>)
      %add3A_119 = arith.addi %mul3A_90, %add3A_116 : i32
      %dma_start3A_120 = tpu.memref_slice %arg7[%add3A_119] : memref<1602048xf32, #tpu.memory_space<vmem_shared>> -> memref<5000xf32, #tpu.memory_space<vmem_shared>>
      %dma_start3A_121 = tpu.memref_slice %arg7[%add3A_119] : memref<1602048xf32, #tpu.memory_space<vmem_shared>> -> memref<5000xf32, #tpu.memory_space<vmem_shared>>
      tpu.enqueue_dma source(%dma_start3A_121 : memref<5000xf32, #tpu.memory_space<vmem_shared>>) target(%arg14 : memref<5000xf32, #tpu.memory_space<vmem>>) target_semaphore(%arg17 : memref<!tpu.dma_semaphore, #tpu.memory_space<semaphore_mem>>)
      %dma_wait3A = tpu.memref_slice %arg7[%add3A_117] : memref<1602048xf32, #tpu.memory_space<vmem_shared>> -> memref<5000xf32, #tpu.memory_space<vmem_shared>>
      %dma_wait3A_122 = tpu.memref_slice %arg7[%add3A_117] : memref<1602048xf32, #tpu.memory_space<vmem_shared>> -> memref<5000xf32, #tpu.memory_space<vmem_shared>>
      tpu.wait_dma2 semaphore(%arg16 : memref<!tpu.dma_semaphore, #tpu.memory_space<semaphore_mem>>) src(%dma_wait3A_122 : memref<5000xf32, #tpu.memory_space<vmem_shared>>) dst(%arg13 : memref<5000xf32, #tpu.memory_space<vmem>>)
      %add3A_123 = arith.addi %add3A_88, %mul3A_114 : i32
      %dma_start3A_124 = tpu.memref_slice %arg6[%add3A_123] : memref<6400000xf32, #tpu.memory_space<hbm>> -> memref<5000xf32, #tpu.memory_space<hbm>>
      %dma_start3A_125 = tpu.memref_slice %arg6[%add3A_123] : memref<6400000xf32, #tpu.memory_space<hbm>> -> memref<5000xf32, #tpu.memory_space<hbm>>
      tpu.enqueue_dma source(%arg13 : memref<5000xf32, #tpu.memory_space<vmem>>) target(%dma_start3A_125 : memref<5000xf32, #tpu.memory_space<hbm>>) target_semaphore(%arg18 : memref<!tpu.dma_semaphore, #tpu.memory_space<semaphore_mem>>)
      %dma_wait3A_126 = tpu.memref_slice %arg7[%add3A_119] : memref<1602048xf32, #tpu.memory_space<vmem_shared>> -> memref<5000xf32, #tpu.memory_space<vmem_shared>>
      %dma_wait3A_127 = tpu.memref_slice %arg7[%add3A_119] : memref<1602048xf32, #tpu.memory_space<vmem_shared>> -> memref<5000xf32, #tpu.memory_space<vmem_shared>>
      tpu.wait_dma2 semaphore(%arg17 : memref<!tpu.dma_semaphore, #tpu.memory_space<semaphore_mem>>) src(%dma_wait3A_127 : memref<5000xf32, #tpu.memory_space<vmem_shared>>) dst(%arg14 : memref<5000xf32, #tpu.memory_space<vmem>>)
      %add3A_128 = arith.addi %add3A_88, %add3A_116 : i32
      %dma_start3A_129 = tpu.memref_slice %arg6[%add3A_128] : memref<6400000xf32, #tpu.memory_space<hbm>> -> memref<5000xf32, #tpu.memory_space<hbm>>
      %dma_start3A_130 = tpu.memref_slice %arg6[%add3A_128] : memref<6400000xf32, #tpu.memory_space<hbm>> -> memref<5000xf32, #tpu.memory_space<hbm>>
      tpu.enqueue_dma source(%arg14 : memref<5000xf32, #tpu.memory_space<vmem>>) target(%dma_start3A_130 : memref<5000xf32, #tpu.memory_space<hbm>>) target_semaphore(%arg19 : memref<!tpu.dma_semaphore, #tpu.memory_space<semaphore_mem>>)
      %dma_wait3A_131 = tpu.memref_slice %arg6[%add3A_123] : memref<6400000xf32, #tpu.memory_space<hbm>> -> memref<5000xf32, #tpu.memory_space<hbm>>
      %dma_wait3A_132 = tpu.memref_slice %arg6[%add3A_123] : memref<6400000xf32, #tpu.memory_space<hbm>> -> memref<5000xf32, #tpu.memory_space<hbm>>
      tpu.wait_dma2 semaphore(%arg18 : memref<!tpu.dma_semaphore, #tpu.memory_space<semaphore_mem>>) src(%arg13 : memref<5000xf32, #tpu.memory_space<vmem>>) dst(%dma_wait3A_132 : memref<5000xf32, #tpu.memory_space<hbm>>)
      %dma_wait3A_133 = tpu.memref_slice %arg6[%add3A_128] : memref<6400000xf32, #tpu.memory_space<hbm>> -> memref<5000xf32, #tpu.memory_space<hbm>>
      %dma_wait3A_134 = tpu.memref_slice %arg6[%add3A_128] : memref<6400000xf32, #tpu.memory_space<hbm>> -> memref<5000xf32, #tpu.memory_space<hbm>>
      tpu.wait_dma2 semaphore(%arg19 : memref<!tpu.dma_semaphore, #tpu.memory_space<semaphore_mem>>) src(%arg14 : memref<5000xf32, #tpu.memory_space<vmem>>) dst(%dma_wait3A_134 : memref<5000xf32, #tpu.memory_space<hbm>>)
    }
    %scan3A_107 = arith.constant 10 : i32
    return
  }
}

</mosaic_0001>

<sc_bundles>
// kernel: kernel.3.cloned.1.call-start
scs
__scs_entry_jumppad:
0x0: {  	(pc) =	sbr.rel $0x88, $3  }
0x1: {  	(tag) =	ssettag $0x0;
	lr =	simm.s32 $0x1  }
0x2: {  	[smem:$0x3F9D] =	sst lr;
	_ =	strace $0xD0000000  }
0x3: {  	_ = 	snop  }
0x4: {  	_ = 	snop  }
0x5: {  	_ = 	snop  }
0x6: {  	_ = 	snop  }
0x7: {  	_ = 	snop  }
__scs_overlays_trampoline_lowered:
0x8: {  	[smem:$0x3FAC] =	sst s0  }
0x9: {  	[smem:$0x3FAD] =	sst s1  }
0xa: {  	[smem:$0x3FAE] =	sst s2  }
0xb: {  	[smem:$0x3FAF] =	sst s3  }
0xc: {  	[smem:$0x3FB0] =	sst s4  }
0xd: {  	[smem:$0x3FB1] =	sst s5  }
0xe: {  	[smem:$0x3FB2] =	sst s6  }
0xf: {  	[smem:$0x3FB3] =	sst s7  }
0x10: {  	[smem:$0x3FB4] =	sst s8  }
0x11: {  	[smem:$0x3FB5] =	sst s9;
	s0 =	simm.s32 @!p0 $0x0  }
0x12: {  	s1 =	sld [smem:$0x3F9B];
	s0 =	simm.s32 @p0 $0x1  }
0x13: {  	[smem:$0x3FB6] =	sst s0;
	s0 =	simm.s32 @!p1 $0x0  }
0x14: {  	s2 =	sld [smem:$0x3F9A];
	s0 =	simm.s32 @p1 $0x1  }
0x15: {  	[smem:$0x3FB7] =	sst s0;
	s0 =	simm.s32 @!p2 $0x0  }
0x16: {  	s3 =	sld [smem:$0x3FDB];
	s0 =	simm.s32 @p2 $0x1  }
0x17: {  	s4 =	simm.s32 $0x1BF5;
	[smem:$0x3FB9] =	sst s0  }
0x18: {  	s0 =	sld [smem:$0x3F9C];
	_ =	swait.ge [sflag:s4], $0x0  }
0x19: {  	s7 =	sld [smem:$0x3F9D]  }
0x1a: {  	s8 =	sadd.s32 $0xFFFFE003, lr  }
0x1b: {  	s9 =	sadd.s32 $0xFFFFFEF7, lr;
	s5 =	simm.s32 $0xFFFFFFFF;
	p2 =	slt.u32 s8, $0xFFFFF086  }
0x1c: {  	p1 =	slt.u32 s9, $0xF7A;
	s5 =	simm.s32 @!p2 $0x0  }
0x1d: {  	s5 =	simm.s32 @p1 $0x1;
	p0 =	seq.s32 s7, s2  }
0x1e: {  	s7 =	smul.u32 @!p0 $0xF7A, s2;
	p2 =	seq.s32 @!p0 s5, $0x0  }
0x1f: {  	s9 =	smul.u32 $0xF7A, s1;
	s8 =	simm.s32 @!p0 $0x1BF5;
	p2 =	por !p2, p0  }
0x20: {  	[sflag:s8] =	ssyncset.s32 @!p0 $0xFFFFF086;
	s6 =	sadd.s32 @!p0 s3, s7;
	s7 =	simm.s32 @!p0 $0x108  }
0x21: {  	s3 =	sadd.s32 s3, s9;
	s6 =	sadd.s32 @!p0 $0x88, s6;
	s7 =	simm.s32 @p2 $0x1082  }
0x22: {  	[simem:s7], [sflag:s8] =	dma.local @!p0 [hbm:s6], $0xF7A  }
0x23: {  	s9 =	sor.u32 $0xD0000000, s2;
	s6 =	simm.s32 $0x108;
	_ =	swait.ge @!p0 [sflag:s8], $0x0  }
0x24: {  	s3 =	sadd.s32 $0x88, s3;
	s6 =	simm.s32 @!p1 $0x1082;
	[sflag:s4] =	ssyncset.s32 $0xFFFFF086  }
0x25: {  	[simem:s6], [sflag:s4] =	dma.local [hbm:s3], $0xF7A  }
0x26: {  	[smem:$0x3F9D] =	sst s1;
	(tag) =	ssettag s2;
	_ =	strace s9  }
0x27: {  	s1 =	sld [smem:$0x3FAD]  }
0x28: {  	s2 =	sld [smem:$0x3FAE]  }
0x29: {  	s4 =	sld [smem:$0x3FB0]  }
0x2a: {  	p0 =	seq.s32 s5, $0x0;
	s5 =	sld [smem:$0x3FB1]  }
0x2b: {  	s6 =	sld [smem:$0x3FB2]  }
0x2c: {  	s7 =	sld [smem:$0x3FB3]  }
0x2d: {  	s3 =	simm.s32 $0x108;
	s8 =	sld [smem:$0x3FB4]  }
0x2e: {  	s3 =	simm.s32 @!p0 $0x1082;
	s9 =	sld [smem:$0x3FB5]  }
0x2f: {  	lr =	sadd.s32 s0, s3;
	s0 =	sld [smem:$0x3FAC]  }
0x30: {  	s3 =	sld [smem:$0x3FAF]  }
0x31: {  	[smem:$0x3FB8] =	sst s10  }
0x32: {  	s10 =	sld [smem:$0x3FB6];
	_ =	sdelay $0x3  }
0x33: {  	p0 =	seq.s32 s10, $0x1;
	s10 =	sld [smem:$0x3FB8];
	_ =	sdelay $0x3  }
0x34: {  	[smem:$0x3FB8] =	sst s10  }
0x35: {  	s10 =	sld [smem:$0x3FB7];
	_ =	sdelay $0x3  }
0x36: {  	p1 =	seq.s32 s10, $0x1;
	s10 =	sld [smem:$0x3FB8];
	_ =	sdelay $0x3  }
0x37: {  	[smem:$0x3FB8] =	sst s10  }
0x38: {  	s10 =	sld [smem:$0x3FB9]  }
0x39: {  	_ = 	snop;
	(pc) =	sbr.ind lr, $3  }
0x3a: {  	_ = 	snop  }
0x3b: {  	_ = 	snop  }
0x3c: {  	p2 =	seq.s32 s10, $0x1;
	s10 =	sld [smem:$0x3FB8]  }
0x3d: {  	_ =	shalt  }
0x3e: {  	_ =	shalt  }
0x3f: {  	_ =	shalt  }
0x40: {  	_ =	shalt  }
0x41: {  	_ =	shalt  }
0x42: {  	_ =	shalt  }
0x43: {  	_ =	shalt  }
0x44: {  	_ =	shalt  }
0x45: {  	_ =	shalt  }
0x46: {  	_ =	shalt  }
0x47: {  	_ =	shalt  }
0x48: {  	_ =	shalt  }
0x49: {  	_ =	shalt  }
0x4a: {  	_ =	shalt  }
0x4b: {  	_ =	shalt  }
0x4c: {  	_ =	shalt  }
0x4d: {  	_ =	shalt  }
0x4e: {  	_ =	shalt  }
0x4f: {  	_ =	shalt  }
0x50: {  	_ =	shalt  }
0x51: {  	_ =	shalt  }
0x52: {  	_ =	shalt  }
0x53: {  	_ =	shalt  }
0x54: {  	_ =	shalt  }
0x55: {  	_ =	shalt  }
0x56: {  	_ =	shalt  }
0x57: {  	_ =	shalt  }
0x58: {  	_ =	shalt  }
0x59: {  	_ =	shalt  }
0x5a: {  	_ =	shalt  }
0x5b: {  	_ =	shalt  }
0x5c: {  	_ =	shalt  }
0x5d: {  	_ =	shalt  }
0x5e: {  	_ =	shalt  }
0x5f: {  	_ =	shalt  }
0x60: {  	_ =	shalt  }
0x61: {  	_ =	shalt  }
0x62: {  	_ =	shalt  }
0x63: {  	_ =	shalt  }
0x64: {  	_ =	shalt  }
0x65: {  	_ =	shalt  }
0x66: {  	_ =	shalt  }
0x67: {  	_ =	shalt  }
0x68: {  	_ =	shalt  }
0x69: {  	_ =	shalt  }
0x6a: {  	_ =	shalt  }
0x6b: {  	_ =	shalt  }
0x6c: {  	_ =	shalt  }
0x6d: {  	_ =	shalt  }
0x6e: {  	_ =	shalt  }
0x6f: {  	_ =	shalt  }
0x70: {  	_ =	shalt  }
0x71: {  	_ =	shalt  }
0x72: {  	_ =	shalt  }
0x73: {  	_ =	shalt  }
0x74: {  	_ =	shalt  }
0x75: {  	_ =	shalt  }
0x76: {  	_ =	shalt  }
0x77: {  	_ =	shalt  }
0x78: {  	_ =	shalt  }
0x79: {  	_ =	shalt  }
0x7a: {  	_ =	shalt  }
0x7b: {  	_ =	shalt  }
0x7c: {  	_ =	shalt  }
0x7d: {  	_ =	shalt  }
0x7e: {  	_ =	shalt  }
0x7f: {  	_ =	shalt  }
0x80: {  	_ =	shalt  }
0x81: {  	_ =	shalt  }
0x82: {  	_ =	shalt  }
0x83: {  	_ =	shalt  }
0x84: {  	_ =	shalt  }
0x85: {  	_ =	shalt  }
0x86: {  	_ =	shalt  }
0x87: {  	_ =	shalt  }
.Lfunc_end0:
.L_simem_size_0:
called_computation_lowered:
.L_overlay_start_0:
0x88: {  	s2 =	sld [smem:$0x3FD9]  }
0x89: {  	s3 =	sld [smem:$0x3FFE];
	_ =	sdelay $0x1  }
0x8a: {  	s1 =	srdreg.scid  }
0x8b: {  	s0 =	sand.u32 $0x1, s1  }
0x8c: {  	s17 =	sshll.u32 s0, $0xA;
	s2 =	sadd.s32 s3, s2  }
0x8d: {  	s2 =	sadd.s32 s2, s17  }
0x8e: {  	[smem:$0x3FC4] =	sst s2  }
0x8f: {  	_ = 	snop  }
0x90: {  	s2 =	sld [smem:$0x3FD0];
	(tm) =	ssettm $0x1  }
0x91: {  	s18 =	sld [smem:$0x3FFB];
	_ =	sdelay $0x3  }
0x92: {  	_ =	strace s18  }
0x93: {  	s3 =	sld [smem:$0x3FFC];
	_ =	sdelay $0x3  }
0x94: {  	_ =	strace s3  }
0x95: {  	s3 =	sld [smem:$0x3FFD];
	_ =	sdelay $0x3  }
0x96: {  	_ =	strace s3  }
0x97: {  	_ =	strace $0x8FFFFFFF  }
0x98: {  	s19 =	sld [smem:$0x3FDB];
	_ =	sdelay $0x1  }
0x99: {  	s4 =	simm.s32 $_scs_section_size  }
0x9a: {  	s5 =	simm.s32 $_size__tile_overlayer_lowered;
	s6 =	simm.s32 $_tile_overlayer_lowered  }
0x9b: {  	s22 =	simm.s32 $0x1BFF;
	s21 =	sshll.u32 s6, $0x1;
	s3 =	sadd.s32 s4, s19  }
0x9c: {  	s7 =	simm.s32 $0x0;
	s20 =	sshll.u32 s5, $0x1;
	s5 =	sadd.s32 s21, s3  }
0x9d: {  	[timem:s7], [sflag:s22] =	dma.local [hbm:s5], s20  }
0x9e: {  	_ =	swait.ge [sflag:s22], s20  }
0x9f: {  	s4 =	ssub.s32 $0x0, s20;
	[sflag:s22] =	ssyncset.done $0x0  }
0xa0: {  	[sflag:s22] =	ssyncadd.s32 s4;
	_ =	sdelay $0x1  }
0xa1: {  	s23 =	simm.s32 $0x1B8B  }
0xa2: {  	_ =	swait.ge [sflag:s23], $0x1  }
0xa3: {  	[sflag:s23] =	ssyncset.done $0x0  }
0xa4: {  	s25 =	simm.s32 $0x1B8E;
	s24 =	sld [smem:$0x3FFE];
	[sflag:s23] =	ssyncadd.s32 $0xFFFFFFFF  }
0xa5: {  	s26 =	simm.s32 $execute0_lowered;
	[smem:$0x3FD2] =	sst s25  }
0xa6: {  	s5 =	sshll.u32 s26, $0x1;
	_ =	strace $0x80000046;
	[dreg:$0x1] =	wrdreg $0xFFFFFFFF  }
0xa7: {  	s28 =	simm.s32 $_size_execute0_lowered;
	s3 =	sadd.s32 s3, s5;
	[dreg:$0x0] =	wrdreg $0x0  }
0xa8: {  	s5 =	sshll.u32 s28, $0x1;
	[dreg:$0x2] =	wrdreg s3  }
0xa9: {  	[dreg:$0x3] =	wrdreg s5  }
0xaa: {  	[dreg:$0x4] =	wrdreg $0xC0  }
0xab: {  	_ =	task [dreg:s7], $0x5FFFF  }
0xac: {  	[dreg:$0x1] =	wrdreg $0xFFFFFFFF  }
0xad: {  	[dreg:$0x0] =	wrdreg $0x60  }
0xae: {  	[dreg:$0x2] =	wrdreg s2  }
0xaf: {  	[dreg:$0x3] =	wrdreg s24  }
0xb0: {  	[dreg:$0x4] =	wrdreg $0x0  }
0xb1: {  	[dreg:$0x5] =	wrdreg $0x9  }
0xb2: {  	_ =	task.clear_ibuf [dreg:s7], $0x6FFFF;
	_ =	strace $0x90000046  }
0xb3: {  	s29 =	simm.s32 $0x9;
	_ =	strace $0x80000048  }
0xb4: {  	_ =	swait.ge [sflag:s29], $0x1  }
0xb5: {  	[sflag:s29] =	ssyncadd.s32 $0xFFFFFFFF  }
0xb6: {  	_ =	strace $0x90000048  }
0xb7: {  	_ =	sfence  }
0xb8: {  	s30 =	sld [smem:$0x0];
	_ =	sdelay $0x2  }
0xb9: {  	s31 =	sshll.u32 s1, $0xD;
	s1 =	sshrl.u32 s1, $0x2  }
0xba: {  	s3 =	sand.u32 $0x4000, s31;
	s1 =	sadd.s32 s1, s30  }
0xbb: {  	s0 =	sor.u32 s3, s0;
	s1 =	sshll.u32 s1, $0x11  }
0xbc: {  	s0 =	sor.u32 s1, s0  }
0xbd: {  	s0 =	sadd.s32 $0x8F2B, s0  }
0xbe: {  	[sflag:s0] =	ssyncadd.remote.s32 $0x1  }
0xbf: {  	_ =	sfence.sel $0xFFFF  }
0xc0: {  	[dreg:$0x0] =	wrdreg $0xFFFFFFFF;
	(pc) =	sbr.abs _section_cstart, $3  }
0xc1: {  	[dreg:$0x1] =	wrdreg $0xFFFFFFFF  }
0xc2: {  	_ =	task.clear_ibuf [dreg:s7], $0x2FFFF;
	_ =	strace $0x9FFFFFFF  }
0xc3: {  	(tm) =	ssettm $0x7FFFFFFF  }
tec
execute0_lowered:
.L_overlay_start_1:
0x0: {  	(tag) =	ssettag $0x1  }
0x1: {  	s0 =	rddreg [dreg:$0x0]  }
0x2: {  	s1 =	rddreg [dreg:$0x1]  }
0x3: {  	s11 =	rddreg [dreg:$0x2];
	s2 =	simm.s32 $0x0;
	s3 =	srdreg.scid  }
0x4: {  	s22 =	stileid.u32;
	s28 =	simm.s32 $0x4;
	s31 =	simm.s32 $0x1000  }
0x5: {  	[smem:$0x7FF] =	sst s2;
	s4 =	sand.u32 $0x1, s3;
	s19 =	sadd.s32 $0x600, s1  }
0x6: {  	s20 =	sadd.s32 $0x20600, s1;
	s21 =	sadd.s32 $0x20800, s1;
	s8 =	sadd.s32 $0x20A00, s1  }
0x7: {  	s9 =	smul.u32 $0x186A0, s22;
	_ =	strace $0x80000047;
	[dreg:$0x4] =	wrdreg s19  }
0x8: {  	s7 =	sshll.u32 s22, $0x7;
	s3 =	smov.u32 s11;
	[dreg:$0x5] =	wrdreg s20  }
0x9: {  	s5 =	ssub.s32 $0x2, s4;
	[dreg:$0x6] =	wrdreg s21;
	s4 =	smul.u32 $0x30D400, s4  }
0xa: {  	s20 =	sadd.s32 $0x186A00, s7;
	s7 =	sshll.u32 s22, $0xD;
	s19 =	simm.s32 $0x1C720  }
0xb: {  	s22 =	simm.s32 $0x1D720;
	s6 =	sshrl.u32 s5, $0x1;
	s30 =	sadd.s32 s9, s11  }
0xc: {  	s5 =	ssub.s32 s5, s6;
	s23 =	ssub.s32 $0x0, s4;
	s10 =	ssub.s32 $0x10, s4  }
0xd: {  	s14 =	ssub.s32 $0x20, s4;
	s15 =	ssub.s32 $0x30, s4;
	s21 =	ssub.s32 $0xFFE79600, s4  }
0xe: {  	v2 =	vlaneseq.u32;
	s16 =	sadd.s32 s9, s4;
	s29 =	ssub.s32 $0xFFE79610, s4;
	s9 =	sadd.s32 $0x800, s1  }
0xf: {  	v6 =	vor.u32 $0x10, v2;
	v7 =	vor.u32 $0x20, v2;
	s1 =	ssub.s32 $0xFFE79620, s4;
	s4 =	ssub.s32 $0xFFE79630, s4;
	[dreg:$0x7] =	wrdreg s30  }
0x10: {  	v8 =	vor.u32 $0x30, v2;
	v9 =	vor.u32 $0x40, v2;
	v10 =	vor.u32 $0x50, v2;
	s24 =	sadd.s32 $0x1388, s16;
	s17 =	sshrl.u32 s16, $0x3;
	s5 =	smax.u32 s5, $0x1  }
0x11: {  	v11 =	vor.u32 $0x60, v2;
	v0 =	vmov s23;
	s26 =	sadd.s32 $0x187D88, s16;
	s23 =	simm.s32 $0x1EB20;
	v15 =	vmov s1;
	s1 =	simm.s32 $0x0  }
0x12: {  	v12 =	vor.u32 $0x70, v2;
	v5 =	vor.u32 s20, v2;
	v6 =	vor.u32 s20, v6;
	s18 =	sshrl.u32 s24, $0x3;
	[dreg:$0x8] =	wrdreg s5;
	s11 =	sadd.s32 s17, s0  }
0x13: {  	v7 =	vor.u32 s20, v7;
	v8 =	vor.u32 s20, v8;
	v9 =	vor.u32 s20, v9;
	s13 =	sadd.s32 s17, s8;
	s25 =	sadd.s32 $0x30D40, s17;
	s6 =	sshrl.u32 s26, $0x3  }
0x14: {  	v10 =	vor.u32 s20, v10;
	v11 =	vor.u32 s20, v11;
	v12 =	vor.u32 s20, v12;
	s24 =	simm.s32 $0x1;
	s26 =	simm.s32 $0x3;
	s12 =	sadd.s32 s18, s0  }
0x15: {  	v1 =	vmov s10;
	v3 =	vmov s14;
	v4 =	vmov s15;
	s14 =	sadd.s32 s18, s8;
	s15 =	sadd.s32 s25, s0;
	s16 =	sadd.s32 s6, s0  }
0x16: {  	v13 =	vmov s21;
	v14 =	vmov s29;
	v16 =	vmov s4;
	s17 =	sadd.s32 s25, s8;
	s18 =	sadd.s32 s6, s8;
	s25 =	simm.s32 $0x2  }
.LBB2_1:
0x17: {  	[dreg:$0x9] =	wrdreg s1  }
0x18: {  	s0 =	rddreg [dreg:$0x5];
	s8 =	simm.s32 $0x5  }
0x19: {  	[tilespmem:s19], [sflag:$0x5] =	stream.linear.gather [hbm4b:s0+s2], $0x1000, $0x38;
	[tilespmem:$0x1FFA0] =	vst v63  }
0x1a: {  	_ =	swait.ge [sflag:s8], $0x1000  }
0x1b: {  	[sflag:s8] =	ssyncset.done $0x0  }
0x1c: {  	s4 =	simm.s32 $0x1FF20;
	s10 =	rddreg [dreg:$0x6];
	[sflag:s8] =	ssyncadd.s32 $0xFFFFF000  }
0x1d: {  	[tilespmem:s4], [sflag:$0x5] =	stream.linear.gather [hbm4b:s10+s2], $0x80, $0x38;
	[tilespmem:$0x1FFA0] =	vst v63  }
0x1e: {  	_ =	swait.ge [sflag:s8], $0x80  }
0x1f: {  	[sflag:s8] =	ssyncset.done $0x0  }
0x20: {  	s20 =	sadd.s32 $0x0, s11;
	[sflag:s8] =	ssyncadd.s32 $0xFFFFFF80  }
0x21: {  	v17 =	vld [tilespmem:$0x1FF20];
	[tilespmem:s22], [sflag:$0x1] =	stream.linear.gather [hbm4b:s20+s2], $0x1388, $0x38  }
0x22: {  	s21 =	sadd.s32 $0x0, s12  }
0x23: {  	[tilespmem:s23], [sflag:$0x2] =	stream.linear.gather [hbm4b:s21+s2], $0x1388, $0x38;
	[tilespmem:$0x1FFA0] =	vst v63  }
0x24: {  	_ =	swait.ge [sflag:s24], $0x1388  }
0x25: {  	[sflag:s24] =	ssyncset.done $0x0  }
0x26: {  	[sflag:s24] =	ssyncadd.s32 $0xFFFFEC78  }
0x27: {  	[spmem:s30] =	stream.linear.scatter [tilespmem:s22], [sflag:$0x3], $0x1388, $0x38;
	[tilespmem:$0x1FFA0] =	vst v63  }
0x28: {  	_ =	swait.ge [sflag:s25], $0x1388  }
0x29: {  	s29 =	sadd.s32 $0x1388, s30;
	[sflag:s25] =	ssyncset.done $0x0  }
0x2a: {  	[dreg:$0xa] =	wrdreg s29;
	[sflag:s25] =	ssyncadd.s32 $0xFFFFEC78  }
0x2b: {  	[spmem:s29] =	stream.linear.scatter [tilespmem:s23], [sflag:$0x4], $0x1388, $0x38;
	[tilespmem:$0x1FFA0] =	vst v63  }
0x2c: {  	_ =	swait.ge [sflag:s26], $0x1388  }
0x2d: {  	[sflag:s26] =	ssyncset.done $0x0  }
0x2e: {  	[sflag:s26] =	ssyncadd.s32 $0xFFFFEC78  }
0x2f: {  	s1 =	simm.s32 $0x4E2;
	_ =	swait.ge [sflag:s28], $0x1388  }
0x30: {  	s0 =	sadd.s32 $0x2710, s30;
	s4 =	simm.s32 $0x9C4;
	[sflag:s28] =	ssyncset.done $0x0  }
.LBB2_2:
0x31: {  	s5 =	sadd.s32 s1, s11  }
0x32: {  	[sflag:s28] =	ssyncadd.s32 $0xFFFFEC78;
	s6 =	smov.u32 s4;
	s8 =	sadd.s32 $0x4E2, s4  }
0x33: {  	[tilespmem:s22], [sflag:$0x1] =	stream.linear.gather [hbm4b:s5+s2], $0x1388, $0x38;
	[tilespmem:$0x1FFA0] =	vst v63  }
0x34: {  	p0 =	sne.s32 s4, $0x2BF2;
	s4 =	sadd.s32 s1, s12;
	s1 =	smov.u32 s6  }
0x35: {  	[tilespmem:s23], [sflag:$0x2] =	stream.linear.gather [hbm4b:s4+s2], $0x1388, $0x38;
	[tilespmem:$0x1FFA0] =	vst v63  }
0x36: {  	_ =	swait.ge [sflag:s24], $0x1388  }
0x37: {  	[sflag:s24] =	ssyncset.done $0x0  }
0x38: {  	[sflag:s24] =	ssyncadd.s32 $0xFFFFEC78  }
0x39: {  	[spmem:s0] =	stream.linear.scatter [tilespmem:s22], [sflag:$0x3], $0x1388, $0x38;
	[tilespmem:$0x1FFA0] =	vst v63  }
0x3a: {  	_ =	swait.ge [sflag:s25], $0x1388  }
0x3b: {  	[sflag:s25] =	ssyncset.done $0x0  }
0x3c: {  	s4 =	sadd.s32 $0x1388, s0;
	[sflag:s25] =	ssyncadd.s32 $0xFFFFEC78  }
0x3d: {  	[spmem:s4] =	stream.linear.scatter [tilespmem:s23], [sflag:$0x4], $0x1388, $0x38;
	[tilespmem:$0x1FFA0] =	vst v63  }
.Ltmp0:
0x3e: {  	_ =	swait.ge [sflag:s26], $0x1388;
	(pc) =	sbr.rel @p0 .LBB2_2-.Ltmp0, $4  }
0x3f: {  	[sflag:s26] =	ssyncset.done $0x0  }
0x40: {  	[sflag:s26] =	ssyncadd.s32 $0xFFFFEC78  }
0x41: {  	_ =	swait.ge [sflag:s28], $0x1388  }
0x42: {  	s0 =	sadd.s32 $0x2710, s0;
	s4 =	smov.u32 s8;
	[sflag:s28] =	ssyncset.done $0x0  }
0x43: {  	s4 =	sadd.s32 s1, s11;
	[sflag:s28] =	ssyncadd.s32 $0xFFFFEC78  }
0x44: {  	[tilespmem:s22], [sflag:$0x1] =	stream.linear.gather [hbm4b:s4+s2], $0x1388, $0x38;
	[tilespmem:$0x1FFA0] =	vst v63  }
0x45: {  	s29 =	sadd.s32 s1, s12  }
0x46: {  	[tilespmem:s23], [sflag:$0x2] =	stream.linear.gather [hbm4b:s29+s2], $0x1388, $0x38;
	[tilespmem:$0x1FFA0] =	vst v63  }
0x47: {  	_ =	swait.ge [sflag:s24], $0x1388  }
0x48: {  	[sflag:s24] =	ssyncset.done $0x0  }
0x49: {  	[sflag:s24] =	ssyncadd.s32 $0xFFFFEC78  }
0x4a: {  	[spmem:s0] =	stream.linear.scatter [tilespmem:s22], [sflag:$0x3], $0x1388, $0x38;
	[tilespmem:$0x1FFA0] =	vst v63  }
0x4b: {  	_ =	swait.ge [sflag:s25], $0x1388  }
0x4c: {  	[sflag:s25] =	ssyncset.done $0x0  }
0x4d: {  	s30 =	sadd.s32 $0x1388, s0;
	[sflag:s25] =	ssyncadd.s32 $0xFFFFEC78  }
0x4e: {  	[spmem:s30] =	stream.linear.scatter [tilespmem:s23], [sflag:$0x4], $0x1388, $0x38;
	[tilespmem:$0x1FFA0] =	vst v63  }
0x4f: {  	_ =	swait.ge [sflag:s26], $0x1388  }
0x50: {  	[sflag:s26] =	ssyncset.done $0x0  }
0x51: {  	[sflag:s26] =	ssyncadd.s32 $0xFFFFEC78  }
0x52: {  	v17 =	vshll.u32 v17, $0x6;
	_ =	swait.ge [sflag:s28], $0x1388  }
0x53: {  	v17 =	vor.u32 v2, v17;
	[sflag:s28] =	ssyncset.done $0x0  }
0x54: {  	v18 =	vadd.s32 v0, v17;
	[sflag:s28] =	ssyncadd.s32 $0xFFFFEC78  }
0x55: {  	s6 =	simm.s32 $0x0;
	v19 =	vadd.s32 v1, v17;
	v20 =	vadd.s32 v3, v17;
	v21 =	vadd.s32 v4, v17;
	[bflag:$0x0] =	sbarrier.arrive $0xFFFF  }
.LBB2_4:
0x56: {  	s0 =	sshll.u32 s6, $0xA  }
0x57: {  	s1 =	rddreg [dreg:$0x4];
	s0 =	sadd.s32 s7, s0  }
0x58: {  	s4 =	simm.s32 $0x18720;
	s1 =	sadd.s32 s1, s0  }
0x59: {  	[tilespmem:s4], [sflag:$0x1] =	stream.linear.gather [hbm4b:s1+s2], $0x1000, $0x38;
	[tilespmem:$0x1FFA0] =	vst v63  }
0x5a: {  	s21 =	simm.s32 $0x19720;
	s0 =	sadd.s32 s0, s9  }
0x5b: {  	[tilespmem:s21], [sflag:$0x2] =	stream.linear.gather [hbm4b:s0+s2], $0x1000, $0x38;
	[tilespmem:$0x1FFA0] =	vst v63  }
0x5c: {  	_ =	swait.ge [sflag:s24], $0x1000  }
0x5d: {  	[sflag:s24] =	ssyncset.done $0x0  }
0x5e: {  	s29 =	simm.s32 $0x18760;
	[sflag:s24] =	ssyncadd.s32 $0xFFFFF000  }
0x5f: {  	v22 =	vld [tilespmem:s29+$0x0];
	_ =	sdelay $0x4  }
0x60: {  	v22 =	vshll.u32 v22, $0x6  }
0x61: {  	v23 =	vld [tilespmem:s29+$0xFFFFFFC0];
	v22 =	vadd.s32 v18, v22  }
0x62: {  	vm0 =	vlt.u32 v22, $0x186A00  }
0x63: {  	s10 =	simm.s32 $0x1A760;
	s1 =	simm.s32 $0x187E0;
	v22 =	vsel vm0, v22, v9  }
0x64: {  	v24 =	vld [tilespmem:s1+$0x0];
	[tilespmem:s10+$0x0] =	vst v22  }
0x65: {  	v22 =	vld [tilespmem:s29+$0x10]  }
0x66: {  	v23 =	vshll.u32 v23, $0x6  }
0x67: {  	v23 =	vadd.s32 v18, v23  }
0x68: {  	vm0 =	vlt.u32 v23, $0x186A00  }
0x69: {  	v25 =	vld [tilespmem:s1+$0xFFFFFFC0];
	v24 =	vshll.u32 v24, $0x6;
	v23 =	vsel vm0, v23, v5  }
0x6a: {  	[tilespmem:s10+$0xFFFFFFC0] =	vst v23;
	v23 =	vadd.s32 v18, v24;
	v22 =	vshll.u32 v22, $0x6  }
0x6b: {  	vm1 =	vlt.u32 v23, $0x186A00;
	v22 =	vadd.s32 v19, v22  }
0x6c: {  	s20 =	simm.s32 $0x1A7E0;
	v24 =	vld [tilespmem:s29+$0xFFFFFFD0];
	v23 =	vsel vm1, v23, v9;
	vm0 =	vlt.u32 v22, $0x186A00  }
0x6d: {  	[tilespmem:s20+$0x0] =	vst v23;
	v22 =	vsel vm0, v22, v10  }
0x6e: {  	v25 =	vshll.u32 v25, $0x6;
	v23 =	vld [tilespmem:s1+$0x10];
	[tilespmem:s10+$0x10] =	vst v22  }
0x6f: {  	s21 =	simm.s32 $0x18860;
	v25 =	vadd.s32 v18, v25;
	v22 =	vld [tilespmem:s29+$0x20]  }
0x70: {  	v26 =	vld [tilespmem:s21+$0x0];
	vm0 =	vlt.u32 v25, $0x186A00  }
0x71: {  	v24 =	vshll.u32 v24, $0x6;
	v25 =	vsel vm0, v25, v5  }
0x72: {  	v24 =	vadd.s32 v19, v24;
	[tilespmem:s20+$0xFFFFFFC0] =	vst v25  }
0x73: {  	vm0 =	vlt.u32 v24, $0x186A00;
	v23 =	vshll.u32 v23, $0x6;
	v25 =	vld [tilespmem:s1+$0xFFFFFFD0]  }
0x74: {  	v24 =	vsel vm0, v24, v6;
	v23 =	vadd.s32 v19, v23;
	v22 =	vshll.u32 v22, $0x6  }
0x75: {  	s8 =	simm.s32 $0x188E0;
	v27 =	vld [tilespmem:s21+$0xFFFFFFC0];
	[tilespmem:s10+$0xFFFFFFD0] =	vst v24;
	v24 =	vshll.u32 v26, $0x6;
	vm1 =	vlt.u32 v23, $0x186A00;
	v22 =	vadd.s32 v20, v22  }
0x76: {  	v28 =	vld [tilespmem:s8+$0x0];
	v24 =	vadd.s32 v18, v24;
	v23 =	vsel vm1, v23, v10;
	vm0 =	vlt.u32 v22, $0x186A00  }
0x77: {  	v26 =	vld [tilespmem:s29+$0xFFFFFFE0];
	[tilespmem:s20+$0x10] =	vst v23;
	v22 =	vsel vm0, v22, v11;
	vm0 =	vlt.u32 v24, $0x186A00  }
0x78: {  	s4 =	simm.s32 $0x1A860;
	v29 =	vld [tilespmem:s8+$0xFFFFFFC0];
	v25 =	vshll.u32 v25, $0x6;
	[tilespmem:s10+$0x20] =	vst v22;
	v22 =	vsel vm0, v24, v9  }
0x79: {  	v25 =	vadd.s32 v19, v25;
	[tilespmem:s4+$0x0] =	vst v22;
	v22 =	vld [tilespmem:s1+$0x20]  }
0x7a: {  	vm1 =	vlt.u32 v25, $0x186A00;
	v24 =	vshll.u32 v27, $0x6;
	v27 =	vld [tilespmem:s21+$0x10]  }
0x7b: {  	v25 =	vsel vm1, v25, v6;
	v24 =	vadd.s32 v18, v24  }
0x7c: {  	v26 =	vshll.u32 v26, $0x6;
	v23 =	vld [tilespmem:s29+$0x30];
	[tilespmem:s20+$0xFFFFFFD0] =	vst v25;
	vm0 =	vlt.u32 v24, $0x186A00  }
0x7d: {  	v26 =	vadd.s32 v20, v26;
	v25 =	vshll.u32 v28, $0x6;
	v28 =	vld [tilespmem:s1+$0xFFFFFFE0];
	v24 =	vsel vm0, v24, v5  }
0x7e: {  	v29 =	vshll.u32 v29, $0x6;
	vm0 =	vlt.u32 v26, $0x186A00;
	[tilespmem:s4+$0xFFFFFFC0] =	vst v24;
	v22 =	vshll.u32 v22, $0x6  }
0x7f: {  	v24 =	vsel vm0, v26, v7;
	v26 =	vld [tilespmem:s21+$0xFFFFFFD0];
	v27 =	vshll.u32 v27, $0x6;
	v22 =	vadd.s32 v20, v22  }
0x80: {  	v25 =	vadd.s32 v18, v25;
	[tilespmem:s10+$0xFFFFFFE0] =	vst v24;
	v24 =	vadd.s32 v19, v27;
	vm0 =	vlt.u32 v22, $0x186A00  }
0x81: {  	s30 =	simm.s32 $0x18960;
	v23 =	vshll.u32 v23, $0x6;
	v27 =	vld [tilespmem:s29+$0xFFFFFFF0];
	vm1 =	vlt.u32 v24, $0x186A00;
	v22 =	vsel vm0, v22, v11  }
0x82: {  	v30 =	vld [tilespmem:s30+$0x0];
	v28 =	vshll.u32 v28, $0x6;
	vm0 =	vlt.u32 v25, $0x186A00;
	v24 =	vsel vm1, v24, v10;
	[tilespmem:s20+$0x20] =	vst v22  }
0x83: {  	v23 =	vadd.s32 v21, v23;
	s29 =	simm.s32 $0x1A8E0;
	v28 =	vadd.s32 v20, v28;
	v25 =	vsel vm0, v25, v9;
	[tilespmem:s4+$0x10] =	vst v24;
	v24 =	vld [tilespmem:s1+$0x30]  }
0x84: {  	vm1 =	vlt.u32 v23, $0x186A00;
	v22 =	vadd.s32 v18, v29;
	v26 =	vshll.u32 v26, $0x6;
	[tilespmem:s29+$0x0] =	vst v25;
	v25 =	vld [tilespmem:s21+$0x20]  }
0x85: {  	v23 =	vsel vm1, v23, v12;
	vm0 =	vlt.u32 v22, $0x186A00;
	v26 =	vadd.s32 v19, v26;
	v31 =	vld [tilespmem:s8+$0x10]  }
0x86: {  	v29 =	vsel vm0, v22, v5;
	vm0 =	vlt.u32 v26, $0x186A00;
	v22 =	vshll.u32 v27, $0x6  }
0x87: {  	v27 =	vsel vm0, v26, v6;
	vm0 =	vlt.u32 v28, $0x186A00;
	[tilespmem:s29+$0xFFFFFFC0] =	vst v29;
	v29 =	vshll.u32 v30, $0x6  }
0x88: {  	[tilespmem:s10+$0x30] =	vst v23;
	v26 =	vld [tilespmem:s30+$0xFFFFFFC0];
	v22 =	vadd.s32 v21, v22;
	v23 =	vsel vm0, v28, v7;
	v24 =	vshll.u32 v24, $0x6  }
0x89: {  	[tilespmem:s4+$0xFFFFFFD0] =	vst v27;
	v29 =	vadd.s32 v18, v29;
	v28 =	vshll.u32 v25, $0x6;
	v30 =	vadd.s32 v21, v24;
	v25 =	vld [tilespmem:s8+$0xFFFFFFD0]  }
0x8a: {  	v27 =	vshll.u32 v31, $0x6;
	v24 =	vld [tilespmem:s21+$0xFFFFFFE0];
	v31 =	vadd.s32 v20, v28;
	vm1 =	vlt.u32 v30, $0x186A00  }
0x8b: {  	[tilespmem:s20+$0xFFFFFFE0] =	vst v23;
	v28 =	vadd.s32 v19, v27;
	vm2 =	vlt.u32 v31, $0x186A00;
	v30 =	vsel vm1, v30, v12  }
0x8c: {  	s5 =	simm.s32 $0x8;
	s0 =	simm.s32 $0x1A8E0;
	vm0 =	vlt.u32 v22, $0x186A00;
	v23 =	vld [tilespmem:s1+$0xFFFFFFF0];
	s1 =	simm.s32 $0x189E0;
	vm1 =	vlt.u32 v28, $0x186A00;
	v27 =	vsel vm2, v31, v11;
	[tilespmem:s20+$0x30] =	vst v30  }
.LBB2_5:
0x8d: {  	v30 =	vld [tilespmem:s1+$0x0];
	v26 =	vshll.u32 v26, $0x6;
	vm2 =	vlt.u32 v29, $0x186A00;
	v28 =	vsel vm1, v28, v10;
	[tilespmem:s4+$0x20] =	vst v27  }
0x8e: {  	v25 =	vshll.u32 v25, $0x6;
	s0 =	sadd.s32 $0x80, s0;
	v26 =	vadd.s32 v18, v26;
	v27 =	vsel vm2, v29, v9;
	[tilespmem:s29+$0x10] =	vst v28;
	v28 =	vld [tilespmem:s21+$0x30]  }
0x8f: {  	v24 =	vshll.u32 v24, $0x6;
	v25 =	vadd.s32 v19, v25;
	vm1 =	vlt.u32 v26, $0x186A00;
	[tilespmem:s0+$0x0] =	vst v27;
	v27 =	vld [tilespmem:s8+$0x20]  }
0x90: {  	v24 =	vadd.s32 v20, v24;
	v29 =	vsel vm1, v26, v5;
	v31 =	vld [tilespmem:s30+$0x10];
	vm1 =	vlt.u32 v25, $0x186A00  }
0x91: {  	s5 =	sadd.s32 $0x2, s5;
	v23 =	vshll.u32 v23, $0x6;
	v26 =	vld [tilespmem:s1+$0xFFFFFFC0];
	[tilespmem:s0+$0xFFFFFFC0] =	vst v29;
	v29 =	vsel vm1, v25, v6;
	vm1 =	vlt.u32 v24, $0x186A00  }
0x92: {  	v32 =	vsel vm0, v22, v8;
	p0 =	slt.u32 s5, $0x3E;
	v22 =	vadd.s32 v21, v23;
	v25 =	vld [tilespmem:s30+$0xFFFFFFD0];
	[tilespmem:s29+$0xFFFFFFD0] =	vst v29;
	v29 =	vsel vm1, v24, v7  }
.Ltmp1:
0x93: {  	vm0 =	vlt.u32 v22, $0x186A00;
	v24 =	vld [tilespmem:s8+$0xFFFFFFE0];
	[tilespmem:s4+$0xFFFFFFE0] =	vst v29;
	v28 =	vshll.u32 v28, $0x6;
	(pc) =	sbr.rel @p0 .LBB2_5-.Ltmp1, $4  }
0x94: {  	v29 =	vshll.u32 v30, $0x6;
	v27 =	vshll.u32 v27, $0x6;
	v23 =	vld [tilespmem:s21+$0xFFFFFFF0];
	v30 =	vadd.s32 v21, v28;
	[tilespmem:s10+$0xFFFFFFF0] =	vst v32;
	s10 =	smov.u32 s20;
	s20 =	smov.u32 s4;
	s4 =	smov.u32 s29  }
0x95: {  	s29 =	smov.u32 s0;
	s21 =	smov.u32 s8;
	s8 =	smov.u32 s30;
	v28 =	vshll.u32 v31, $0x6;
	v27 =	vadd.s32 v20, v27;
	vm1 =	vlt.u32 v30, $0x186A00  }
0x96: {  	s30 =	smov.u32 s1;
	v28 =	vadd.s32 v19, v28;
	vm2 =	vlt.u32 v27, $0x186A00;
	v30 =	vsel vm1, v30, v12  }
0x97: {  	v29 =	vadd.s32 v18, v29;
	s1 =	sadd.s32 $0x80, s1;
	vm1 =	vlt.u32 v28, $0x186A00;
	v27 =	vsel vm2, v27, v11;
	[tilespmem:s20+$0x30] =	vst v30  }
0x98: {  	v26 =	vshll.u32 v26, $0x6;
	vm2 =	vlt.u32 v29, $0x186A00  }
0x99: {  	s0 =	sadd.s32 $0x80, s0;
	v26 =	vadd.s32 v18, v26;
	v29 =	vsel vm2, v29, v9  }
0x9a: {  	vm2 =	vlt.u32 v26, $0x186A00;
	[tilespmem:s0+$0x0] =	vst v29  }
0x9b: {  	v26 =	vsel vm2, v26, v5;
	v29 =	vld [tilespmem:s30+$0x10]  }
0x9c: {  	[tilespmem:s0+$0xFFFFFFC0] =	vst v26  }
0x9d: {  	v26 =	vld [tilespmem:s30+$0xFFFFFFD0];
	_ =	sdelay $0x1  }
0x9e: {  	v25 =	vshll.u32 v25, $0x6  }
0x9f: {  	v25 =	vadd.s32 v19, v25;
	v29 =	vshll.u32 v29, $0x6  }
0xa0: {  	v28 =	vsel vm1, v28, v10;
	vm1 =	vlt.u32 v25, $0x186A00;
	v29 =	vadd.s32 v19, v29  }
0xa1: {  	[tilespmem:s29+$0x10] =	vst v28;
	v25 =	vsel vm1, v25, v6;
	vm1 =	vlt.u32 v29, $0x186A00;
	v26 =	vshll.u32 v26, $0x6  }
0xa2: {  	v28 =	vld [tilespmem:s8+$0x20];
	[tilespmem:s29+$0xFFFFFFD0] =	vst v25;
	v25 =	vsel vm1, v29, v10;
	v26 =	vadd.s32 v19, v26  }
0xa3: {  	v29 =	vld [tilespmem:s8+$0xFFFFFFE0];
	[tilespmem:s0+$0x10] =	vst v25;
	vm1 =	vlt.u32 v26, $0x186A00  }
0xa4: {  	v25 =	vld [tilespmem:s30+$0x20];
	v26 =	vsel vm1, v26, v6  }
0xa5: {  	v24 =	vshll.u32 v24, $0x6;
	[tilespmem:s0+$0xFFFFFFD0] =	vst v26  }
0xa6: {  	v24 =	vadd.s32 v20, v24;
	v26 =	vld [tilespmem:s30+$0xFFFFFFE0]  }
0xa7: {  	v28 =	vshll.u32 v28, $0x6;
	vm1 =	vlt.u32 v24, $0x186A00  }
0xa8: {  	[tilespmem:s4+$0x20] =	vst v27;
	v27 =	vadd.s32 v20, v28;
	v24 =	vsel vm1, v24, v7;
	v28 =	vshll.u32 v29, $0x6  }
0xa9: {  	vm1 =	vlt.u32 v27, $0x186A00;
	v29 =	vld [tilespmem:s21+$0x30];
	v28 =	vadd.s32 v20, v28;
	v25 =	vshll.u32 v25, $0x6  }
0xaa: {  	[tilespmem:s4+$0xFFFFFFE0] =	vst v24;
	v24 =	vsel vm1, v27, v11;
	vm1 =	vlt.u32 v28, $0x186A00;
	v25 =	vadd.s32 v20, v25  }
0xab: {  	v27 =	vld [tilespmem:s21+$0xFFFFFFF0];
	[tilespmem:s29+$0x20] =	vst v24;
	v24 =	vsel vm1, v28, v7;
	vm1 =	vlt.u32 v25, $0x186A00;
	v26 =	vshll.u32 v26, $0x6  }
0xac: {  	v28 =	vld [tilespmem:s8+$0x30];
	[tilespmem:s29+$0xFFFFFFE0] =	vst v24;
	v24 =	vsel vm1, v25, v11;
	v25 =	vadd.s32 v20, v26  }
0xad: {  	v23 =	vshll.u32 v23, $0x6;
	v26 =	vld [tilespmem:s8+$0xFFFFFFF0];
	[tilespmem:s0+$0x20] =	vst v24;
	vm1 =	vlt.u32 v25, $0x186A00  }
0xae: {  	v23 =	vadd.s32 v21, v23;
	v24 =	vshll.u32 v29, $0x6;
	v29 =	vld [tilespmem:s30+$0x30];
	v25 =	vsel vm1, v25, v7  }
0xaf: {  	v22 =	vsel vm0, v22, v8;
	vm0 =	vlt.u32 v23, $0x186A00;
	[tilespmem:s0+$0xFFFFFFE0] =	vst v25  }
0xb0: {  	[tilespmem:s10+$0xFFFFFFF0] =	vst v22;
	v22 =	vsel vm0, v23, v8;
	v24 =	vadd.s32 v21, v24;
	v25 =	vshll.u32 v27, $0x6;
	v27 =	vld [tilespmem:s30+$0xFFFFFFF0]  }
0xb1: {  	vm1 =	vlt.u32 v24, $0x186A00;
	v28 =	vshll.u32 v28, $0x6;
	v25 =	vadd.s32 v21, v25  }
0xb2: {  	v24 =	vsel vm1, v24, v12;
	v23 =	vadd.s32 v21, v28;
	vm0 =	vlt.u32 v25, $0x186A00  }
0xb3: {  	[tilespmem:s4+$0x30] =	vst v24;
	vm1 =	vlt.u32 v23, $0x186A00;
	v24 =	vshll.u32 v26, $0x6;
	v26 =	vshll.u32 v29, $0x6  }
0xb4: {  	[tilespmem:s20+$0xFFFFFFF0] =	vst v22;
	v22 =	vsel vm1, v23, v12;
	v23 =	vadd.s32 v21, v24;
	v24 =	vadd.s32 v21, v26  }
0xb5: {  	[tilespmem:s29+$0x30] =	vst v22;
	v22 =	vsel vm0, v25, v8;
	vm0 =	vlt.u32 v24, $0x186A00;
	v25 =	vshll.u32 v27, $0x6  }
0xb6: {  	vm1 =	vlt.u32 v23, $0x186A00;
	[tilespmem:s4+$0xFFFFFFF0] =	vst v22;
	v22 =	vsel vm0, v24, v12;
	v24 =	vadd.s32 v21, v25  }
0xb7: {  	[tilespmem:s0+$0x30] =	vst v22;
	v22 =	vsel vm1, v23, v8;
	vm0 =	vlt.u32 v24, $0x186A00  }
0xb8: {  	[tilespmem:s29+$0xFFFFFFF0] =	vst v22;
	v22 =	vsel vm0, v24, v8  }
0xb9: {  	s21 =	simm.s32 $0x1A720;
	[tilespmem:s0+$0xFFFFFFF0] =	vst v22  }
0xba: {  	[spmem:s3] =	stream.indirect.scatter.add.f32 [tilespmem:s19], [sflag:$0x3], $0x1, s21, s31, $0xb8;
	[tilespmem:$0x1FFA0] =	vst v63  }
0xbb: {  	_ =	swait.ge [sflag:s25], $0x1000  }
0xbc: {  	[sflag:s25] =	ssyncset.done $0x0  }
0xbd: {  	s29 =	simm.s32 $0x19760;
	[sflag:s25] =	ssyncadd.s32 $0xFFFFF000  }
0xbe: {  	v22 =	vld [tilespmem:s29+$0x0];
	_ =	sdelay $0x4  }
0xbf: {  	v22 =	vshll.u32 v22, $0x6  }
0xc0: {  	v23 =	vld [tilespmem:s29+$0xFFFFFFC0];
	v22 =	vadd.s32 v18, v22  }
0xc1: {  	vm0 =	vlt.u32 v22, $0x186A00  }
0xc2: {  	s1 =	simm.s32 $0x197E0;
	s10 =	simm.s32 $0x1B760;
	v22 =	vsel vm0, v22, v9  }
0xc3: {  	v24 =	vld [tilespmem:s1+$0x0];
	[tilespmem:s10+$0x0] =	vst v22  }
0xc4: {  	v22 =	vld [tilespmem:s29+$0x10]  }
0xc5: {  	v23 =	vshll.u32 v23, $0x6  }
0xc6: {  	v23 =	vadd.s32 v18, v23  }
0xc7: {  	vm0 =	vlt.u32 v23, $0x186A00  }
0xc8: {  	v25 =	vld [tilespmem:s1+$0xFFFFFFC0];
	v24 =	vshll.u32 v24, $0x6;
	v23 =	vsel vm0, v23, v5  }
0xc9: {  	[tilespmem:s10+$0xFFFFFFC0] =	vst v23;
	v23 =	vadd.s32 v18, v24;
	v22 =	vshll.u32 v22, $0x6  }
0xca: {  	vm1 =	vlt.u32 v23, $0x186A00;
	v22 =	vadd.s32 v19, v22  }
0xcb: {  	s20 =	simm.s32 $0x1B7E0;
	v24 =	vld [tilespmem:s29+$0xFFFFFFD0];
	v23 =	vsel vm1, v23, v9;
	vm0 =	vlt.u32 v22, $0x186A00  }
0xcc: {  	[tilespmem:s20+$0x0] =	vst v23;
	v22 =	vsel vm0, v22, v10  }
0xcd: {  	v25 =	vshll.u32 v25, $0x6;
	v23 =	vld [tilespmem:s1+$0x10];
	[tilespmem:s10+$0x10] =	vst v22  }
0xce: {  	s21 =	simm.s32 $0x19860;
	v25 =	vadd.s32 v18, v25;
	v22 =	vld [tilespmem:s29+$0x20]  }
0xcf: {  	v26 =	vld [tilespmem:s21+$0x0];
	vm0 =	vlt.u32 v25, $0x186A00  }
0xd0: {  	v24 =	vshll.u32 v24, $0x6;
	v25 =	vsel vm0, v25, v5  }
0xd1: {  	v24 =	vadd.s32 v19, v24;
	[tilespmem:s20+$0xFFFFFFC0] =	vst v25  }
0xd2: {  	vm0 =	vlt.u32 v24, $0x186A00;
	v23 =	vshll.u32 v23, $0x6;
	v25 =	vld [tilespmem:s1+$0xFFFFFFD0]  }
0xd3: {  	v24 =	vsel vm0, v24, v6;
	v23 =	vadd.s32 v19, v23;
	v22 =	vshll.u32 v22, $0x6  }
0xd4: {  	s8 =	simm.s32 $0x198E0;
	v27 =	vld [tilespmem:s21+$0xFFFFFFC0];
	[tilespmem:s10+$0xFFFFFFD0] =	vst v24;
	v24 =	vshll.u32 v26, $0x6;
	vm1 =	vlt.u32 v23, $0x186A00;
	v22 =	vadd.s32 v20, v22  }
0xd5: {  	v28 =	vld [tilespmem:s8+$0x0];
	v24 =	vadd.s32 v18, v24;
	v23 =	vsel vm1, v23, v10;
	vm0 =	vlt.u32 v22, $0x186A00  }
0xd6: {  	v26 =	vld [tilespmem:s29+$0xFFFFFFE0];
	[tilespmem:s20+$0x10] =	vst v23;
	v22 =	vsel vm0, v22, v11;
	vm0 =	vlt.u32 v24, $0x186A00  }
0xd7: {  	s4 =	simm.s32 $0x1B860;
	v29 =	vld [tilespmem:s8+$0xFFFFFFC0];
	v25 =	vshll.u32 v25, $0x6;
	[tilespmem:s10+$0x20] =	vst v22;
	v22 =	vsel vm0, v24, v9  }
0xd8: {  	v25 =	vadd.s32 v19, v25;
	[tilespmem:s4+$0x0] =	vst v22;
	v22 =	vld [tilespmem:s1+$0x20]  }
0xd9: {  	vm1 =	vlt.u32 v25, $0x186A00;
	v24 =	vshll.u32 v27, $0x6;
	v27 =	vld [tilespmem:s21+$0x10]  }
0xda: {  	v25 =	vsel vm1, v25, v6;
	v24 =	vadd.s32 v18, v24  }
0xdb: {  	v26 =	vshll.u32 v26, $0x6;
	v23 =	vld [tilespmem:s29+$0x30];
	[tilespmem:s20+$0xFFFFFFD0] =	vst v25;
	vm0 =	vlt.u32 v24, $0x186A00  }
0xdc: {  	v26 =	vadd.s32 v20, v26;
	v25 =	vshll.u32 v28, $0x6;
	v28 =	vld [tilespmem:s1+$0xFFFFFFE0];
	v24 =	vsel vm0, v24, v5  }
0xdd: {  	v29 =	vshll.u32 v29, $0x6;
	vm0 =	vlt.u32 v26, $0x186A00;
	[tilespmem:s4+$0xFFFFFFC0] =	vst v24;
	v22 =	vshll.u32 v22, $0x6  }
0xde: {  	v24 =	vsel vm0, v26, v7;
	v26 =	vld [tilespmem:s21+$0xFFFFFFD0];
	v27 =	vshll.u32 v27, $0x6;
	v22 =	vadd.s32 v20, v22  }
0xdf: {  	v25 =	vadd.s32 v18, v25;
	[tilespmem:s10+$0xFFFFFFE0] =	vst v24;
	v24 =	vadd.s32 v19, v27;
	vm0 =	vlt.u32 v22, $0x186A00  }
0xe0: {  	s30 =	simm.s32 $0x19960;
	v23 =	vshll.u32 v23, $0x6;
	v27 =	vld [tilespmem:s29+$0xFFFFFFF0];
	vm1 =	vlt.u32 v24, $0x186A00;
	v22 =	vsel vm0, v22, v11  }
0xe1: {  	v30 =	vld [tilespmem:s30+$0x0];
	v28 =	vshll.u32 v28, $0x6;
	vm0 =	vlt.u32 v25, $0x186A00;
	v24 =	vsel vm1, v24, v10;
	[tilespmem:s20+$0x20] =	vst v22  }
0xe2: {  	v23 =	vadd.s32 v21, v23;
	s29 =	simm.s32 $0x1B8E0;
	v28 =	vadd.s32 v20, v28;
	v25 =	vsel vm0, v25, v9;
	[tilespmem:s4+$0x10] =	vst v24;
	v24 =	vld [tilespmem:s1+$0x30]  }
0xe3: {  	vm1 =	vlt.u32 v23, $0x186A00;
	v22 =	vadd.s32 v18, v29;
	v26 =	vshll.u32 v26, $0x6;
	[tilespmem:s29+$0x0] =	vst v25;
	v25 =	vld [tilespmem:s21+$0x20]  }
0xe4: {  	v23 =	vsel vm1, v23, v12;
	vm0 =	vlt.u32 v22, $0x186A00;
	v26 =	vadd.s32 v19, v26;
	v31 =	vld [tilespmem:s8+$0x10]  }
0xe5: {  	v29 =	vsel vm0, v22, v5;
	vm0 =	vlt.u32 v26, $0x186A00;
	v22 =	vshll.u32 v27, $0x6  }
0xe6: {  	v27 =	vsel vm0, v26, v6;
	vm0 =	vlt.u32 v28, $0x186A00;
	[tilespmem:s29+$0xFFFFFFC0] =	vst v29;
	v29 =	vshll.u32 v30, $0x6  }
0xe7: {  	[tilespmem:s10+$0x30] =	vst v23;
	v26 =	vld [tilespmem:s30+$0xFFFFFFC0];
	v22 =	vadd.s32 v21, v22;
	v23 =	vsel vm0, v28, v7;
	v24 =	vshll.u32 v24, $0x6  }
0xe8: {  	[tilespmem:s4+$0xFFFFFFD0] =	vst v27;
	v29 =	vadd.s32 v18, v29;
	v28 =	vshll.u32 v25, $0x6;
	v30 =	vadd.s32 v21, v24;
	v25 =	vld [tilespmem:s8+$0xFFFFFFD0]  }
0xe9: {  	v27 =	vshll.u32 v31, $0x6;
	v24 =	vld [tilespmem:s21+$0xFFFFFFE0];
	v31 =	vadd.s32 v20, v28;
	vm1 =	vlt.u32 v30, $0x186A00  }
0xea: {  	[tilespmem:s20+$0xFFFFFFE0] =	vst v23;
	v28 =	vadd.s32 v19, v27;
	vm2 =	vlt.u32 v31, $0x186A00;
	v30 =	vsel vm1, v30, v12  }
0xeb: {  	s5 =	simm.s32 $0x8;
	s0 =	simm.s32 $0x1B8E0;
	vm0 =	vlt.u32 v22, $0x186A00;
	v23 =	vld [tilespmem:s1+$0xFFFFFFF0];
	s1 =	simm.s32 $0x199E0;
	vm1 =	vlt.u32 v28, $0x186A00;
	v27 =	vsel vm2, v31, v11;
	[tilespmem:s20+$0x30] =	vst v30  }
.LBB2_7:
0xec: {  	v30 =	vld [tilespmem:s1+$0x0];
	v26 =	vshll.u32 v26, $0x6;
	vm2 =	vlt.u32 v29, $0x186A00;
	v28 =	vsel vm1, v28, v10;
	[tilespmem:s4+$0x20] =	vst v27  }
0xed: {  	v25 =	vshll.u32 v25, $0x6;
	s0 =	sadd.s32 $0x80, s0;
	v26 =	vadd.s32 v18, v26;
	v27 =	vsel vm2, v29, v9;
	[tilespmem:s29+$0x10] =	vst v28;
	v28 =	vld [tilespmem:s21+$0x30]  }
0xee: {  	v24 =	vshll.u32 v24, $0x6;
	v25 =	vadd.s32 v19, v25;
	vm1 =	vlt.u32 v26, $0x186A00;
	[tilespmem:s0+$0x0] =	vst v27;
	v27 =	vld [tilespmem:s8+$0x20]  }
0xef: {  	v24 =	vadd.s32 v20, v24;
	v29 =	vsel vm1, v26, v5;
	v31 =	vld [tilespmem:s30+$0x10];
	vm1 =	vlt.u32 v25, $0x186A00  }
0xf0: {  	s5 =	sadd.s32 $0x2, s5;
	v23 =	vshll.u32 v23, $0x6;
	v26 =	vld [tilespmem:s1+$0xFFFFFFC0];
	[tilespmem:s0+$0xFFFFFFC0] =	vst v29;
	v29 =	vsel vm1, v25, v6;
	vm1 =	vlt.u32 v24, $0x186A00  }
0xf1: {  	v32 =	vsel vm0, v22, v8;
	p0 =	slt.u32 s5, $0x3E;
	v22 =	vadd.s32 v21, v23;
	v25 =	vld [tilespmem:s30+$0xFFFFFFD0];
	[tilespmem:s29+$0xFFFFFFD0] =	vst v29;
	v29 =	vsel vm1, v24, v7  }
.Ltmp2:
0xf2: {  	vm0 =	vlt.u32 v22, $0x186A00;
	v24 =	vld [tilespmem:s8+$0xFFFFFFE0];
	[tilespmem:s4+$0xFFFFFFE0] =	vst v29;
	v28 =	vshll.u32 v28, $0x6;
	(pc) =	sbr.rel @p0 .LBB2_7-.Ltmp2, $4  }
0xf3: {  	v29 =	vshll.u32 v30, $0x6;
	v27 =	vshll.u32 v27, $0x6;
	v23 =	vld [tilespmem:s21+$0xFFFFFFF0];
	v30 =	vadd.s32 v21, v28;
	[tilespmem:s10+$0xFFFFFFF0] =	vst v32;
	s10 =	smov.u32 s20;
	s20 =	smov.u32 s4;
	s4 =	smov.u32 s29  }
0xf4: {  	s29 =	smov.u32 s0;
	s21 =	smov.u32 s8;
	s8 =	smov.u32 s30;
	v28 =	vshll.u32 v31, $0x6;
	v27 =	vadd.s32 v20, v27;
	vm1 =	vlt.u32 v30, $0x186A00  }
0xf5: {  	s30 =	smov.u32 s1;
	v28 =	vadd.s32 v19, v28;
	vm2 =	vlt.u32 v27, $0x186A00;
	v30 =	vsel vm1, v30, v12  }
0xf6: {  	v29 =	vadd.s32 v18, v29;
	s1 =	sadd.s32 $0x80, s1;
	vm1 =	vlt.u32 v28, $0x186A00;
	v27 =	vsel vm2, v27, v11;
	[tilespmem:s20+$0x30] =	vst v30  }
0xf7: {  	v26 =	vshll.u32 v26, $0x6;
	vm2 =	vlt.u32 v29, $0x186A00  }
0xf8: {  	s0 =	sadd.s32 $0x80, s0;
	v26 =	vadd.s32 v18, v26;
	v29 =	vsel vm2, v29, v9  }
0xf9: {  	vm12 =	vlt.u32 v26, $0x186A00;
	[tilespmem:s0+$0x0] =	vst v29  }
0xfa: {  	v26 =	vsel vm12, v26, v5;
	v29 =	vld [tilespmem:s30+$0x10]  }
0xfb: {  	[tilespmem:s0+$0xFFFFFFC0] =	vst v26  }
0xfc: {  	v26 =	vld [tilespmem:s30+$0xFFFFFFD0];
	_ =	sdelay $0x1  }
0xfd: {  	v25 =	vshll.u32 v25, $0x6  }
0xfe: {  	v28 =	vsel vm1, v28, v10;
	v25 =	vadd.s32 v19, v25;
	v29 =	vshll.u32 v29, $0x6  }
0xff: {  	[tilespmem:s29+$0x10] =	vst v28;
	vm13 =	vlt.u32 v25, $0x186A00;
	v29 =	vadd.s32 v19, v29  }
0x100: {  	v28 =	vld [tilespmem:s8+$0x20];
	v25 =	vsel vm13, v25, v6;
	vm14 =	vlt.u32 v29, $0x186A00;
	v26 =	vshll.u32 v26, $0x6  }
0x101: {  	[tilespmem:s29+$0xFFFFFFD0] =	vst v25;
	v43 =	vsel vm14, v29, v10;
	v26 =	vadd.s32 v19, v26  }
0x102: {  	v44 =	vld [tilespmem:s8+$0xFFFFFFE0];
	[tilespmem:s0+$0x10] =	vst v43;
	vm15 =	vlt.u32 v26, $0x186A00  }
0x103: {  	v25 =	vld [tilespmem:s30+$0x20];
	v26 =	vsel vm15, v26, v6  }
0x104: {  	[tilespmem:s0+$0xFFFFFFD0] =	vst v26  }
0x105: {  	v24 =	vshll.u32 v24, $0x6;
	v28 =	vshll.u32 v28, $0x6;
	v26 =	vld [tilespmem:s30+$0xFFFFFFE0]  }
0x106: {  	v24 =	vadd.s32 v20, v24;
	v45 =	vadd.s32 v20, v28  }
0x107: {  	[tilespmem:s4+$0x20] =	vst v27;
	vm4 =	vlt.u32 v24, $0x186A00;
	vm5 =	vlt.u32 v45, $0x186A00;
	v46 =	vshll.u32 v44, $0x6  }
0x108: {  	v47 =	vld [tilespmem:s21+$0x30];
	v48 =	vsel vm5, v45, v11;
	v28 =	vadd.s32 v20, v46;
	v25 =	vshll.u32 v25, $0x6  }
0x109: {  	v24 =	vsel vm4, v24, v7;
	[tilespmem:s29+$0x20] =	vst v48;
	vm6 =	vlt.u32 v28, $0x186A00;
	v25 =	vadd.s32 v20, v25  }
0x10a: {  	[tilespmem:s4+$0xFFFFFFE0] =	vst v24;
	v51 =	vld [tilespmem:s8+$0x30];
	v50 =	vsel vm6, v28, v7;
	vm7 =	vlt.u32 v25, $0x186A00;
	v26 =	vshll.u32 v26, $0x6  }
0x10b: {  	v49 =	vld [tilespmem:s21+$0xFFFFFFF0];
	[tilespmem:s29+$0xFFFFFFE0] =	vst v50;
	v52 =	vsel vm7, v25, v11;
	v53 =	vadd.s32 v20, v26  }
0x10c: {  	v54 =	vld [tilespmem:s8+$0xFFFFFFF0];
	[tilespmem:s0+$0x20] =	vst v52;
	vm8 =	vlt.u32 v53, $0x186A00  }
0x10d: {  	v23 =	vshll.u32 v23, $0x6;
	v55 =	vshll.u32 v47, $0x6;
	v56 =	vld [tilespmem:s30+$0x30];
	v25 =	vsel vm8, v53, v7  }
0x10e: {  	v22 =	vsel vm0, v22, v8;
	v23 =	vadd.s32 v21, v23;
	v24 =	vadd.s32 v21, v55;
	[tilespmem:s0+$0xFFFFFFE0] =	vst v25  }
0x10f: {  	vm9 =	vlt.u32 v23, $0x186A00;
	vm10 =	vlt.u32 v24, $0x186A00;
	v28 =	vshll.u32 v51, $0x6;
	v58 =	vld [tilespmem:s30+$0xFFFFFFF0]  }
0x110: {  	[tilespmem:s10+$0xFFFFFFF0] =	vst v22;
	v22 =	vsel vm9, v23, v8;
	v24 =	vsel vm10, v24, v12;
	v23 =	vadd.s32 v21, v28  }
0x111: {  	v57 =	vshll.u32 v49, $0x6;
	vm12 =	vlt.u32 v23, $0x186A00;
	v59 =	vshll.u32 v54, $0x6  }
0x112: {  	[tilespmem:s20+$0xFFFFFFF0] =	vst v22;
	v22 =	vsel vm12, v23, v12;
	v25 =	vadd.s32 v21, v57;
	v60 =	vshll.u32 v56, $0x6  }
0x113: {  	[tilespmem:s4+$0x30] =	vst v24;
	v23 =	vadd.s32 v21, v59;
	vm11 =	vlt.u32 v25, $0x186A00;
	v61 =	vadd.s32 v21, v60  }
0x114: {  	[tilespmem:s29+$0x30] =	vst v22;
	v22 =	vsel vm11, v25, v8;
	vm13 =	vlt.u32 v61, $0x186A00;
	v62 =	vshll.u32 v58, $0x6  }
0x115: {  	vm14 =	vlt.u32 v23, $0x186A00;
	[tilespmem:s4+$0xFFFFFFF0] =	vst v22;
	v22 =	vsel vm13, v61, v12;
	v63 =	vadd.s32 v21, v62  }
0x116: {  	[tilespmem:s0+$0x30] =	vst v22;
	v22 =	vsel vm14, v23, v8;
	vm15 =	vlt.u32 v63, $0x186A00  }
0x117: {  	[tilespmem:s29+$0xFFFFFFF0] =	vst v22;
	v22 =	vsel vm15, v63, v8  }
0x118: {  	s6 =	sadd.s32 $0x1, s6;
	s30 =	simm.s32 $0x1B720;
	[tilespmem:s0+$0xFFFFFFF0] =	vst v22  }
0x119: {  	[spmem:s3] =	stream.indirect.scatter.add.f32 [tilespmem:s19], [sflag:$0x4], $0x1, s30, s31, $0xb8;
	[tilespmem:$0x1FFA0] =	vst v63  }
0x11a: {  	p0 =	sne.s32 s6, $0x8;
	_ =	swait.ge [sflag:s26], $0x1000  }
.Ltmp3:
0x11b: {  	[sflag:s26] =	ssyncset.done $0x0;
	(pc) =	sbr.rel @p0 .LBB2_4-.Ltmp3, $4  }
0x11c: {  	[sflag:s26] =	ssyncadd.s32 $0xFFFFF000  }
0x11d: {  	_ =	swait.ge [sflag:s28], $0x1000  }
0x11e: {  	[sflag:s28] =	ssyncset.done $0x0  }
0x11f: {  	[sflag:s28] =	ssyncadd.s32 $0xFFFFF000  }
0x120: {  	[bflag:$0x0] =	sbarrier.arrive $0xFFFF  }
0x121: {  	s8 =	rddreg [dreg:$0x7]  }
0x122: {  	[tilespmem:s22], [sflag:$0x1] =	stream.linear.gather [spmem:s8], $0x1388, $0x38;
	[tilespmem:$0x1FFA0] =	vst v63  }
0x123: {  	s0 =	rddreg [dreg:$0xa]  }
0x124: {  	[tilespmem:s23], [sflag:$0x2] =	stream.linear.gather [spmem:s0], $0x1388, $0x38;
	[tilespmem:$0x1FFA0] =	vst v63  }
0x125: {  	_ =	swait.ge [sflag:s24], $0x1388  }
0x126: {  	[sflag:s24] =	ssyncset.done $0x0  }
0x127: {  	s1 =	sadd.s32 $0x0, s13;
	s0 =	simm.s32 $0x0;
	[sflag:s24] =	ssyncadd.s32 $0xFFFFEC78  }
0x128: {  	[hbm4b:s1+s0] =	stream.linear.scatter [tilespmem:s22], [sflag:$0x3], $0x1388, $0x38;
	[tilespmem:$0x1FFA0] =	vst v63  }
0x129: {  	_ =	swait.ge [sflag:s25], $0x1388  }
0x12a: {  	[sflag:s25] =	ssyncset.done $0x0  }
0x12b: {  	s30 =	sadd.s32 $0x0, s14;
	[sflag:s25] =	ssyncadd.s32 $0xFFFFEC78  }
0x12c: {  	[hbm4b:s30+s0] =	stream.linear.scatter [tilespmem:s23], [sflag:$0x4], $0x1388, $0x38;
	[tilespmem:$0x1FFA0] =	vst v63  }
0x12d: {  	_ =	swait.ge [sflag:s26], $0x1388  }
0x12e: {  	[sflag:s26] =	ssyncset.done $0x0  }
0x12f: {  	[sflag:s26] =	ssyncadd.s32 $0xFFFFEC78  }
0x130: {  	_ =	swait.ge [sflag:s28], $0x1388  }
0x131: {  	s4 =	smov.u32 s8;
	s1 =	simm.s32 $0x4E2;
	[sflag:s28] =	ssyncset.done $0x0  }
.LBB2_10:
0x132: {  	p0 =	sne.s32 s1, $0x2BF2;
	[sflag:s28] =	ssyncadd.s32 $0xFFFFEC78;
	s4 =	sadd.s32 $0x2710, s4  }
0x133: {  	[tilespmem:s22], [sflag:$0x1] =	stream.linear.gather [spmem:s4], $0x1388, $0x38;
	[tilespmem:$0x1FFA0] =	vst v63  }
0x134: {  	s6 =	smov.u32 s1;
	s1 =	sadd.s32 $0x4E2, s1;
	s5 =	sadd.s32 $0x1388, s4  }
0x135: {  	[tilespmem:s23], [sflag:$0x2] =	stream.linear.gather [spmem:s5], $0x1388, $0x38;
	[tilespmem:$0x1FFA0] =	vst v63  }
0x136: {  	_ =	swait.ge [sflag:s24], $0x1388  }
0x137: {  	[sflag:s24] =	ssyncset.done $0x0  }
0x138: {  	s5 =	sadd.s32 s6, s13;
	[sflag:s24] =	ssyncadd.s32 $0xFFFFEC78  }
0x139: {  	[hbm4b:s5+s0] =	stream.linear.scatter [tilespmem:s22], [sflag:$0x3], $0x1388, $0x38;
	[tilespmem:$0x1FFA0] =	vst v63  }
0x13a: {  	_ =	swait.ge [sflag:s25], $0x1388  }
0x13b: {  	[sflag:s25] =	ssyncset.done $0x0  }
0x13c: {  	s5 =	sadd.s32 s6, s14;
	[sflag:s25] =	ssyncadd.s32 $0xFFFFEC78  }
0x13d: {  	[hbm4b:s5+s0] =	stream.linear.scatter [tilespmem:s23], [sflag:$0x4], $0x1388, $0x38;
	[tilespmem:$0x1FFA0] =	vst v63  }
.Ltmp4:
0x13e: {  	_ =	swait.ge [sflag:s26], $0x1388;
	(pc) =	sbr.rel @p0 .LBB2_10-.Ltmp4, $4  }
0x13f: {  	[sflag:s26] =	ssyncset.done $0x0  }
0x140: {  	[sflag:s26] =	ssyncadd.s32 $0xFFFFEC78  }
0x141: {  	_ =	swait.ge [sflag:s28], $0x1388  }
0x142: {  	[sflag:s28] =	ssyncset.done $0x0  }
0x143: {  	[sflag:s28] =	ssyncadd.s32 $0xFFFFEC78;
	s0 =	sadd.s32 $0x0, s15  }
0x144: {  	[tilespmem:s22], [sflag:$0x1] =	stream.linear.gather [hbm4b:s0+s2], $0x1388, $0x38;
	[tilespmem:$0x1FFA0] =	vst v63  }
0x145: {  	s29 =	sadd.s32 $0x0, s16  }
0x146: {  	[tilespmem:s23], [sflag:$0x2] =	stream.linear.gather [hbm4b:s29+s2], $0x1388, $0x38;
	[tilespmem:$0x1FFA0] =	vst v63  }
0x147: {  	_ =	swait.ge [sflag:s24], $0x1388  }
0x148: {  	[sflag:s24] =	ssyncset.done $0x0  }
0x149: {  	[sflag:s24] =	ssyncadd.s32 $0xFFFFEC78  }
0x14a: {  	[spmem:s8] =	stream.linear.scatter [tilespmem:s22], [sflag:$0x3], $0x1388, $0x38;
	[tilespmem:$0x1FFA0] =	vst v63  }
0x14b: {  	_ =	swait.ge [sflag:s25], $0x1388  }
0x14c: {  	[sflag:s25] =	ssyncset.done $0x0  }
0x14d: {  	s30 =	rddreg [dreg:$0xa];
	[sflag:s25] =	ssyncadd.s32 $0xFFFFEC78  }
0x14e: {  	[spmem:s30] =	stream.linear.scatter [tilespmem:s23], [sflag:$0x4], $0x1388, $0x38;
	[tilespmem:$0x1FFA0] =	vst v63  }
0x14f: {  	_ =	swait.ge [sflag:s26], $0x1388  }
0x150: {  	[sflag:s26] =	ssyncset.done $0x0  }
0x151: {  	[sflag:s26] =	ssyncadd.s32 $0xFFFFEC78  }
0x152: {  	s1 =	simm.s32 $0x4E2;
	_ =	swait.ge [sflag:s28], $0x1388  }
0x153: {  	s4 =	simm.s32 $0x9C4;
	s0 =	sadd.s32 $0x2710, s8;
	[sflag:s28] =	ssyncset.done $0x0  }
.LBB2_12:
0x154: {  	s5 =	sadd.s32 s1, s15  }
0x155: {  	[sflag:s28] =	ssyncadd.s32 $0xFFFFEC78;
	s6 =	smov.u32 s4;
	s8 =	sadd.s32 $0x4E2, s4  }
0x156: {  	[tilespmem:s22], [sflag:$0x1] =	stream.linear.gather [hbm4b:s5+s2], $0x1388, $0x38;
	[tilespmem:$0x1FFA0] =	vst v63  }
0x157: {  	p0 =	sne.s32 s4, $0x2BF2;
	s4 =	sadd.s32 s1, s16;
	s1 =	smov.u32 s6  }
0x158: {  	[tilespmem:s23], [sflag:$0x2] =	stream.linear.gather [hbm4b:s4+s2], $0x1388, $0x38;
	[tilespmem:$0x1FFA0] =	vst v63  }
0x159: {  	_ =	swait.ge [sflag:s24], $0x1388  }
0x15a: {  	[sflag:s24] =	ssyncset.done $0x0  }
0x15b: {  	[sflag:s24] =	ssyncadd.s32 $0xFFFFEC78  }
0x15c: {  	[spmem:s0] =	stream.linear.scatter [tilespmem:s22], [sflag:$0x3], $0x1388, $0x38;
	[tilespmem:$0x1FFA0] =	vst v63  }
0x15d: {  	_ =	swait.ge [sflag:s25], $0x1388  }
0x15e: {  	[sflag:s25] =	ssyncset.done $0x0  }
0x15f: {  	s4 =	sadd.s32 $0x1388, s0;
	[sflag:s25] =	ssyncadd.s32 $0xFFFFEC78  }
0x160: {  	[spmem:s4] =	stream.linear.scatter [tilespmem:s23], [sflag:$0x4], $0x1388, $0x38;
	[tilespmem:$0x1FFA0] =	vst v63  }
.Ltmp5:
0x161: {  	_ =	swait.ge [sflag:s26], $0x1388;
	(pc) =	sbr.rel @p0 .LBB2_12-.Ltmp5, $4  }
0x162: {  	[sflag:s26] =	ssyncset.done $0x0  }
0x163: {  	[sflag:s26] =	ssyncadd.s32 $0xFFFFEC78  }
0x164: {  	_ =	swait.ge [sflag:s28], $0x1388  }
0x165: {  	s0 =	sadd.s32 $0x2710, s0;
	s4 =	smov.u32 s8;
	[sflag:s28] =	ssyncset.done $0x0  }
0x166: {  	s4 =	sadd.s32 s1, s15;
	[sflag:s28] =	ssyncadd.s32 $0xFFFFEC78  }
0x167: {  	[tilespmem:s22], [sflag:$0x1] =	stream.linear.gather [hbm4b:s4+s2], $0x1388, $0x38;
	[tilespmem:$0x1FFA0] =	vst v63  }
0x168: {  	s29 =	sadd.s32 s1, s16  }
0x169: {  	[tilespmem:s23], [sflag:$0x2] =	stream.linear.gather [hbm4b:s29+s2], $0x1388, $0x38;
	[tilespmem:$0x1FFA0] =	vst v63  }
0x16a: {  	_ =	swait.ge [sflag:s24], $0x1388  }
0x16b: {  	[sflag:s24] =	ssyncset.done $0x0  }
0x16c: {  	[sflag:s24] =	ssyncadd.s32 $0xFFFFEC78  }
0x16d: {  	[spmem:s0] =	stream.linear.scatter [tilespmem:s22], [sflag:$0x3], $0x1388, $0x38;
	[tilespmem:$0x1FFA0] =	vst v63  }
0x16e: {  	_ =	swait.ge [sflag:s25], $0x1388  }
0x16f: {  	[sflag:s25] =	ssyncset.done $0x0  }
0x170: {  	s30 =	sadd.s32 $0x1388, s0;
	[sflag:s25] =	ssyncadd.s32 $0xFFFFEC78  }
0x171: {  	[spmem:s30] =	stream.linear.scatter [tilespmem:s23], [sflag:$0x4], $0x1388, $0x38;
	[tilespmem:$0x1FFA0] =	vst v63  }
0x172: {  	_ =	swait.ge [sflag:s26], $0x1388  }
0x173: {  	[sflag:s26] =	ssyncset.done $0x0  }
0x174: {  	[sflag:s26] =	ssyncadd.s32 $0xFFFFEC78  }
0x175: {  	_ =	swait.ge [sflag:s28], $0x1388  }
0x176: {  	[sflag:s28] =	ssyncset.done $0x0  }
0x177: {  	v18 =	vadd.s32 v13, v17;
	[sflag:s28] =	ssyncadd.s32 $0xFFFFEC78  }
0x178: {  	v19 =	vadd.s32 v14, v17;
	v20 =	vadd.s32 v15, v17;
	v17 =	vadd.s32 v16, v17;
	s6 =	simm.s32 $0x0;
	[bflag:$0x0] =	sbarrier.arrive $0xFFFF  }
.LBB2_14:
0x179: {  	s0 =	sshll.u32 s6, $0xA  }
0x17a: {  	s1 =	rddreg [dreg:$0x4];
	s0 =	sadd.s32 s7, s0  }
0x17b: {  	s4 =	simm.s32 $0x18720;
	s1 =	sadd.s32 s1, s0  }
0x17c: {  	[tilespmem:s4], [sflag:$0x1] =	stream.linear.gather [hbm4b:s1+s2], $0x1000, $0x38;
	[tilespmem:$0x1FFA0] =	vst v63  }
0x17d: {  	s21 =	simm.s32 $0x19720;
	s0 =	sadd.s32 s0, s9  }
0x17e: {  	[tilespmem:s21], [sflag:$0x2] =	stream.linear.gather [hbm4b:s0+s2], $0x1000, $0x38;
	[tilespmem:$0x1FFA0] =	vst v63  }
0x17f: {  	_ =	swait.ge [sflag:s24], $0x1000  }
0x180: {  	[sflag:s24] =	ssyncset.done $0x0  }
0x181: {  	s29 =	simm.s32 $0x18760;
	[sflag:s24] =	ssyncadd.s32 $0xFFFFF000  }
0x182: {  	v21 =	vld [tilespmem:s29+$0x0];
	_ =	sdelay $0x4  }
0x183: {  	v21 =	vshll.u32 v21, $0x6  }
0x184: {  	v22 =	vld [tilespmem:s29+$0xFFFFFFC0];
	v21 =	vadd.s32 v18, v21  }
0x185: {  	vm0 =	vlt.u32 v21, $0x186A00  }
0x186: {  	s10 =	simm.s32 $0x1A760;
	s1 =	simm.s32 $0x187E0;
	v21 =	vsel vm0, v21, v9  }
0x187: {  	v23 =	vld [tilespmem:s1+$0x0];
	[tilespmem:s10+$0x0] =	vst v21  }
0x188: {  	v21 =	vld [tilespmem:s29+$0x10]  }
0x189: {  	v22 =	vshll.u32 v22, $0x6  }
0x18a: {  	v22 =	vadd.s32 v18, v22  }
0x18b: {  	vm0 =	vlt.u32 v22, $0x186A00  }
0x18c: {  	v24 =	vld [tilespmem:s1+$0xFFFFFFC0];
	v23 =	vshll.u32 v23, $0x6;
	v22 =	vsel vm0, v22, v5  }
0x18d: {  	[tilespmem:s10+$0xFFFFFFC0] =	vst v22;
	v22 =	vadd.s32 v18, v23;
	v21 =	vshll.u32 v21, $0x6  }
0x18e: {  	vm1 =	vlt.u32 v22, $0x186A00;
	v21 =	vadd.s32 v19, v21  }
0x18f: {  	s20 =	simm.s32 $0x1A7E0;
	v23 =	vld [tilespmem:s29+$0xFFFFFFD0];
	v22 =	vsel vm1, v22, v9;
	vm0 =	vlt.u32 v21, $0x186A00  }
0x190: {  	[tilespmem:s20+$0x0] =	vst v22;
	v21 =	vsel vm0, v21, v10  }
0x191: {  	v24 =	vshll.u32 v24, $0x6;
	v22 =	vld [tilespmem:s1+$0x10];
	[tilespmem:s10+$0x10] =	vst v21  }
0x192: {  	s21 =	simm.s32 $0x18860;
	v24 =	vadd.s32 v18, v24;
	v21 =	vld [tilespmem:s29+$0x20]  }
0x193: {  	v25 =	vld [tilespmem:s21+$0x0];
	vm0 =	vlt.u32 v24, $0x186A00  }
0x194: {  	v23 =	vshll.u32 v23, $0x6;
	v24 =	vsel vm0, v24, v5  }
0x195: {  	v23 =	vadd.s32 v19, v23;
	[tilespmem:s20+$0xFFFFFFC0] =	vst v24  }
0x196: {  	vm0 =	vlt.u32 v23, $0x186A00;
	v22 =	vshll.u32 v22, $0x6;
	v24 =	vld [tilespmem:s1+$0xFFFFFFD0]  }
0x197: {  	v23 =	vsel vm0, v23, v6;
	v22 =	vadd.s32 v19, v22;
	v21 =	vshll.u32 v21, $0x6  }
0x198: {  	s8 =	simm.s32 $0x188E0;
	v26 =	vld [tilespmem:s21+$0xFFFFFFC0];
	[tilespmem:s10+$0xFFFFFFD0] =	vst v23;
	v23 =	vshll.u32 v25, $0x6;
	vm1 =	vlt.u32 v22, $0x186A00;
	v21 =	vadd.s32 v20, v21  }
0x199: {  	v27 =	vld [tilespmem:s8+$0x0];
	v23 =	vadd.s32 v18, v23;
	v22 =	vsel vm1, v22, v10;
	vm0 =	vlt.u32 v21, $0x186A00  }
0x19a: {  	v25 =	vld [tilespmem:s29+$0xFFFFFFE0];
	[tilespmem:s20+$0x10] =	vst v22;
	v21 =	vsel vm0, v21, v11;
	vm0 =	vlt.u32 v23, $0x186A00  }
0x19b: {  	s4 =	simm.s32 $0x1A860;
	v28 =	vld [tilespmem:s8+$0xFFFFFFC0];
	v24 =	vshll.u32 v24, $0x6;
	[tilespmem:s10+$0x20] =	vst v21;
	v21 =	vsel vm0, v23, v9  }
0x19c: {  	v24 =	vadd.s32 v19, v24;
	[tilespmem:s4+$0x0] =	vst v21;
	v21 =	vld [tilespmem:s1+$0x20]  }
0x19d: {  	vm1 =	vlt.u32 v24, $0x186A00;
	v23 =	vshll.u32 v26, $0x6;
	v26 =	vld [tilespmem:s21+$0x10]  }
0x19e: {  	v24 =	vsel vm1, v24, v6;
	v23 =	vadd.s32 v18, v23  }
0x19f: {  	v25 =	vshll.u32 v25, $0x6;
	v22 =	vld [tilespmem:s29+$0x30];
	[tilespmem:s20+$0xFFFFFFD0] =	vst v24;
	vm0 =	vlt.u32 v23, $0x186A00  }
0x1a0: {  	v25 =	vadd.s32 v20, v25;
	v24 =	vshll.u32 v27, $0x6;
	v27 =	vld [tilespmem:s1+$0xFFFFFFE0];
	v23 =	vsel vm0, v23, v5  }
0x1a1: {  	v28 =	vshll.u32 v28, $0x6;
	vm0 =	vlt.u32 v25, $0x186A00;
	[tilespmem:s4+$0xFFFFFFC0] =	vst v23;
	v21 =	vshll.u32 v21, $0x6  }
0x1a2: {  	v23 =	vsel vm0, v25, v7;
	v25 =	vld [tilespmem:s21+$0xFFFFFFD0];
	v26 =	vshll.u32 v26, $0x6;
	v21 =	vadd.s32 v20, v21  }
0x1a3: {  	v24 =	vadd.s32 v18, v24;
	[tilespmem:s10+$0xFFFFFFE0] =	vst v23;
	v23 =	vadd.s32 v19, v26;
	vm0 =	vlt.u32 v21, $0x186A00  }
0x1a4: {  	s30 =	simm.s32 $0x18960;
	v22 =	vshll.u32 v22, $0x6;
	v26 =	vld [tilespmem:s29+$0xFFFFFFF0];
	vm1 =	vlt.u32 v23, $0x186A00;
	v21 =	vsel vm0, v21, v11  }
0x1a5: {  	v29 =	vld [tilespmem:s30+$0x0];
	v27 =	vshll.u32 v27, $0x6;
	vm0 =	vlt.u32 v24, $0x186A00;
	v23 =	vsel vm1, v23, v10;
	[tilespmem:s20+$0x20] =	vst v21  }
0x1a6: {  	v22 =	vadd.s32 v17, v22;
	s29 =	simm.s32 $0x1A8E0;
	v27 =	vadd.s32 v20, v27;
	v24 =	vsel vm0, v24, v9;
	[tilespmem:s4+$0x10] =	vst v23;
	v23 =	vld [tilespmem:s1+$0x30]  }
0x1a7: {  	vm1 =	vlt.u32 v22, $0x186A00;
	v21 =	vadd.s32 v18, v28;
	v25 =	vshll.u32 v25, $0x6;
	[tilespmem:s29+$0x0] =	vst v24;
	v24 =	vld [tilespmem:s21+$0x20]  }
0x1a8: {  	v22 =	vsel vm1, v22, v12;
	vm0 =	vlt.u32 v21, $0x186A00;
	v25 =	vadd.s32 v19, v25;
	v30 =	vld [tilespmem:s8+$0x10]  }
0x1a9: {  	v28 =	vsel vm0, v21, v5;
	vm0 =	vlt.u32 v25, $0x186A00;
	v21 =	vshll.u32 v26, $0x6  }
0x1aa: {  	v26 =	vsel vm0, v25, v6;
	vm0 =	vlt.u32 v27, $0x186A00;
	[tilespmem:s29+$0xFFFFFFC0] =	vst v28;
	v28 =	vshll.u32 v29, $0x6  }
0x1ab: {  	[tilespmem:s10+$0x30] =	vst v22;
	v25 =	vld [tilespmem:s30+$0xFFFFFFC0];
	v21 =	vadd.s32 v17, v21;
	v22 =	vsel vm0, v27, v7;
	v23 =	vshll.u32 v23, $0x6  }
0x1ac: {  	[tilespmem:s4+$0xFFFFFFD0] =	vst v26;
	v28 =	vadd.s32 v18, v28;
	v27 =	vshll.u32 v24, $0x6;
	v29 =	vadd.s32 v17, v23;
	v24 =	vld [tilespmem:s8+$0xFFFFFFD0]  }
0x1ad: {  	v26 =	vshll.u32 v30, $0x6;
	v23 =	vld [tilespmem:s21+$0xFFFFFFE0];
	v30 =	vadd.s32 v20, v27;
	vm1 =	vlt.u32 v29, $0x186A00  }
0x1ae: {  	[tilespmem:s20+$0xFFFFFFE0] =	vst v22;
	v27 =	vadd.s32 v19, v26;
	vm2 =	vlt.u32 v30, $0x186A00;
	v29 =	vsel vm1, v29, v12  }
0x1af: {  	s5 =	simm.s32 $0x8;
	s0 =	simm.s32 $0x1A8E0;
	vm0 =	vlt.u32 v21, $0x186A00;
	v22 =	vld [tilespmem:s1+$0xFFFFFFF0];
	s1 =	simm.s32 $0x189E0;
	vm1 =	vlt.u32 v27, $0x186A00;
	v26 =	vsel vm2, v30, v11;
	[tilespmem:s20+$0x30] =	vst v29  }
.LBB2_15:
0x1b0: {  	v29 =	vld [tilespmem:s1+$0x0];
	v25 =	vshll.u32 v25, $0x6;
	vm2 =	vlt.u32 v28, $0x186A00;
	v27 =	vsel vm1, v27, v10;
	[tilespmem:s4+$0x20] =	vst v26  }
0x1b1: {  	v24 =	vshll.u32 v24, $0x6;
	s0 =	sadd.s32 $0x80, s0;
	v25 =	vadd.s32 v18, v25;
	v26 =	vsel vm2, v28, v9;
	[tilespmem:s29+$0x10] =	vst v27;
	v27 =	vld [tilespmem:s21+$0x30]  }
0x1b2: {  	v23 =	vshll.u32 v23, $0x6;
	v24 =	vadd.s32 v19, v24;
	vm1 =	vlt.u32 v25, $0x186A00;
	[tilespmem:s0+$0x0] =	vst v26;
	v26 =	vld [tilespmem:s8+$0x20]  }
0x1b3: {  	v23 =	vadd.s32 v20, v23;
	v28 =	vsel vm1, v25, v5;
	v30 =	vld [tilespmem:s30+$0x10];
	vm1 =	vlt.u32 v24, $0x186A00  }
0x1b4: {  	s5 =	sadd.s32 $0x2, s5;
	v22 =	vshll.u32 v22, $0x6;
	v25 =	vld [tilespmem:s1+$0xFFFFFFC0];
	[tilespmem:s0+$0xFFFFFFC0] =	vst v28;
	v28 =	vsel vm1, v24, v6;
	vm1 =	vlt.u32 v23, $0x186A00  }
0x1b5: {  	v31 =	vsel vm0, v21, v8;
	p0 =	slt.u32 s5, $0x3E;
	v21 =	vadd.s32 v17, v22;
	v24 =	vld [tilespmem:s30+$0xFFFFFFD0];
	[tilespmem:s29+$0xFFFFFFD0] =	vst v28;
	v28 =	vsel vm1, v23, v7  }
.Ltmp6:
0x1b6: {  	vm0 =	vlt.u32 v21, $0x186A00;
	v23 =	vld [tilespmem:s8+$0xFFFFFFE0];
	[tilespmem:s4+$0xFFFFFFE0] =	vst v28;
	v27 =	vshll.u32 v27, $0x6;
	(pc) =	sbr.rel @p0 .LBB2_15-.Ltmp6, $4  }
0x1b7: {  	v28 =	vshll.u32 v29, $0x6;
	v26 =	vshll.u32 v26, $0x6;
	v22 =	vld [tilespmem:s21+$0xFFFFFFF0];
	v29 =	vadd.s32 v17, v27;
	[tilespmem:s10+$0xFFFFFFF0] =	vst v31;
	s10 =	smov.u32 s20;
	s20 =	smov.u32 s4;
	s4 =	smov.u32 s29  }
0x1b8: {  	s29 =	smov.u32 s0;
	s21 =	smov.u32 s8;
	s8 =	smov.u32 s30;
	v27 =	vshll.u32 v30, $0x6;
	v26 =	vadd.s32 v20, v26;
	vm1 =	vlt.u32 v29, $0x186A00  }
0x1b9: {  	s30 =	smov.u32 s1;
	v27 =	vadd.s32 v19, v27;
	vm2 =	vlt.u32 v26, $0x186A00;
	v29 =	vsel vm1, v29, v12  }
0x1ba: {  	v28 =	vadd.s32 v18, v28;
	s1 =	sadd.s32 $0x80, s1;
	vm1 =	vlt.u32 v27, $0x186A00;
	v26 =	vsel vm2, v26, v11;
	[tilespmem:s20+$0x30] =	vst v29  }
0x1bb: {  	v25 =	vshll.u32 v25, $0x6;
	vm2 =	vlt.u32 v28, $0x186A00  }
0x1bc: {  	s0 =	sadd.s32 $0x80, s0;
	v25 =	vadd.s32 v18, v25;
	v28 =	vsel vm2, v28, v9  }
0x1bd: {  	vm2 =	vlt.u32 v25, $0x186A00;
	[tilespmem:s0+$0x0] =	vst v28  }
0x1be: {  	v25 =	vsel vm2, v25, v5;
	v28 =	vld [tilespmem:s30+$0x10]  }
0x1bf: {  	[tilespmem:s0+$0xFFFFFFC0] =	vst v25  }
0x1c0: {  	v25 =	vld [tilespmem:s30+$0xFFFFFFD0];
	_ =	sdelay $0x1  }
0x1c1: {  	v24 =	vshll.u32 v24, $0x6  }
0x1c2: {  	v24 =	vadd.s32 v19, v24;
	v28 =	vshll.u32 v28, $0x6  }
0x1c3: {  	v27 =	vsel vm1, v27, v10;
	vm1 =	vlt.u32 v24, $0x186A00;
	v28 =	vadd.s32 v19, v28  }
0x1c4: {  	[tilespmem:s29+$0x10] =	vst v27;
	v24 =	vsel vm1, v24, v6;
	vm1 =	vlt.u32 v28, $0x186A00;
	v25 =	vshll.u32 v25, $0x6  }
0x1c5: {  	v27 =	vld [tilespmem:s8+$0x20];
	[tilespmem:s29+$0xFFFFFFD0] =	vst v24;
	v24 =	vsel vm1, v28, v10;
	v25 =	vadd.s32 v19, v25  }
0x1c6: {  	v28 =	vld [tilespmem:s8+$0xFFFFFFE0];
	[tilespmem:s0+$0x10] =	vst v24;
	vm1 =	vlt.u32 v25, $0x186A00  }
0x1c7: {  	v24 =	vld [tilespmem:s30+$0x20];
	v25 =	vsel vm1, v25, v6  }
0x1c8: {  	v23 =	vshll.u32 v23, $0x6;
	[tilespmem:s0+$0xFFFFFFD0] =	vst v25  }
0x1c9: {  	v23 =	vadd.s32 v20, v23;
	v25 =	vld [tilespmem:s30+$0xFFFFFFE0]  }
0x1ca: {  	v27 =	vshll.u32 v27, $0x6;
	vm1 =	vlt.u32 v23, $0x186A00  }
0x1cb: {  	[tilespmem:s4+$0x20] =	vst v26;
	v26 =	vadd.s32 v20, v27;
	v23 =	vsel vm1, v23, v7;
	v27 =	vshll.u32 v28, $0x6  }
0x1cc: {  	vm1 =	vlt.u32 v26, $0x186A00;
	v28 =	vld [tilespmem:s21+$0x30];
	v27 =	vadd.s32 v20, v27;
	v24 =	vshll.u32 v24, $0x6  }
0x1cd: {  	[tilespmem:s4+$0xFFFFFFE0] =	vst v23;
	v23 =	vsel vm1, v26, v11;
	vm1 =	vlt.u32 v27, $0x186A00;
	v24 =	vadd.s32 v20, v24  }
0x1ce: {  	v26 =	vld [tilespmem:s21+$0xFFFFFFF0];
	[tilespmem:s29+$0x20] =	vst v23;
	v23 =	vsel vm1, v27, v7;
	vm1 =	vlt.u32 v24, $0x186A00;
	v25 =	vshll.u32 v25, $0x6  }
0x1cf: {  	v27 =	vld [tilespmem:s8+$0x30];
	[tilespmem:s29+$0xFFFFFFE0] =	vst v23;
	v23 =	vsel vm1, v24, v11;
	v24 =	vadd.s32 v20, v25  }
0x1d0: {  	v22 =	vshll.u32 v22, $0x6;
	v25 =	vld [tilespmem:s8+$0xFFFFFFF0];
	[tilespmem:s0+$0x20] =	vst v23;
	vm1 =	vlt.u32 v24, $0x186A00  }
0x1d1: {  	v22 =	vadd.s32 v17, v22;
	v23 =	vshll.u32 v28, $0x6;
	v28 =	vld [tilespmem:s30+$0x30];
	v24 =	vsel vm1, v24, v7  }
0x1d2: {  	v21 =	vsel vm0, v21, v8;
	vm0 =	vlt.u32 v22, $0x186A00;
	[tilespmem:s0+$0xFFFFFFE0] =	vst v24  }
0x1d3: {  	[tilespmem:s10+$0xFFFFFFF0] =	vst v21;
	v21 =	vsel vm0, v22, v8;
	v23 =	vadd.s32 v17, v23;
	v24 =	vshll.u32 v26, $0x6;
	v26 =	vld [tilespmem:s30+$0xFFFFFFF0]  }
0x1d4: {  	vm1 =	vlt.u32 v23, $0x186A00;
	v27 =	vshll.u32 v27, $0x6;
	v24 =	vadd.s32 v17, v24  }
0x1d5: {  	v23 =	vsel vm1, v23, v12;
	v22 =	vadd.s32 v17, v27;
	vm0 =	vlt.u32 v24, $0x186A00  }
0x1d6: {  	[tilespmem:s4+$0x30] =	vst v23;
	vm1 =	vlt.u32 v22, $0x186A00;
	v23 =	vshll.u32 v25, $0x6;
	v25 =	vshll.u32 v28, $0x6  }
0x1d7: {  	[tilespmem:s20+$0xFFFFFFF0] =	vst v21;
	v21 =	vsel vm1, v22, v12;
	v22 =	vadd.s32 v17, v23;
	v23 =	vadd.s32 v17, v25  }
0x1d8: {  	[tilespmem:s29+$0x30] =	vst v21;
	v21 =	vsel vm0, v24, v8;
	vm0 =	vlt.u32 v23, $0x186A00;
	v24 =	vshll.u32 v26, $0x6  }
0x1d9: {  	vm1 =	vlt.u32 v22, $0x186A00;
	[tilespmem:s4+$0xFFFFFFF0] =	vst v21;
	v21 =	vsel vm0, v23, v12;
	v23 =	vadd.s32 v17, v24  }
0x1da: {  	[tilespmem:s0+$0x30] =	vst v21;
	v21 =	vsel vm1, v22, v8;
	vm0 =	vlt.u32 v23, $0x186A00  }
0x1db: {  	[tilespmem:s29+$0xFFFFFFF0] =	vst v21;
	v21 =	vsel vm0, v23, v8  }
0x1dc: {  	s21 =	simm.s32 $0x1A720;
	[tilespmem:s0+$0xFFFFFFF0] =	vst v21  }
0x1dd: {  	[spmem:s3] =	stream.indirect.scatter.add.f32 [tilespmem:s19], [sflag:$0x3], $0x1, s21, s31, $0xb8;
	[tilespmem:$0x1FFA0] =	vst v63  }
0x1de: {  	_ =	swait.ge [sflag:s25], $0x1000  }
0x1df: {  	[sflag:s25] =	ssyncset.done $0x0  }
0x1e0: {  	s29 =	simm.s32 $0x19760;
	[sflag:s25] =	ssyncadd.s32 $0xFFFFF000  }
0x1e1: {  	v21 =	vld [tilespmem:s29+$0x0];
	_ =	sdelay $0x4  }
0x1e2: {  	v21 =	vshll.u32 v21, $0x6  }
0x1e3: {  	v22 =	vld [tilespmem:s29+$0xFFFFFFC0];
	v21 =	vadd.s32 v18, v21  }
0x1e4: {  	vm0 =	vlt.u32 v21, $0x186A00  }
0x1e5: {  	s1 =	simm.s32 $0x197E0;
	s10 =	simm.s32 $0x1B760;
	v21 =	vsel vm0, v21, v9  }
0x1e6: {  	v23 =	vld [tilespmem:s1+$0x0];
	[tilespmem:s10+$0x0] =	vst v21  }
0x1e7: {  	v21 =	vld [tilespmem:s29+$0x10]  }
0x1e8: {  	v22 =	vshll.u32 v22, $0x6  }
0x1e9: {  	v22 =	vadd.s32 v18, v22  }
0x1ea: {  	vm0 =	vlt.u32 v22, $0x186A00  }
0x1eb: {  	v24 =	vld [tilespmem:s1+$0xFFFFFFC0];
	v23 =	vshll.u32 v23, $0x6;
	v22 =	vsel vm0, v22, v5  }
0x1ec: {  	[tilespmem:s10+$0xFFFFFFC0] =	vst v22;
	v22 =	vadd.s32 v18, v23;
	v21 =	vshll.u32 v21, $0x6  }
0x1ed: {  	vm1 =	vlt.u32 v22, $0x186A00;
	v21 =	vadd.s32 v19, v21  }
0x1ee: {  	s20 =	simm.s32 $0x1B7E0;
	v23 =	vld [tilespmem:s29+$0xFFFFFFD0];
	v22 =	vsel vm1, v22, v9;
	vm0 =	vlt.u32 v21, $0x186A00  }
0x1ef: {  	[tilespmem:s20+$0x0] =	vst v22;
	v21 =	vsel vm0, v21, v10  }
0x1f0: {  	v24 =	vshll.u32 v24, $0x6;
	v22 =	vld [tilespmem:s1+$0x10];
	[tilespmem:s10+$0x10] =	vst v21  }
0x1f1: {  	s21 =	simm.s32 $0x19860;
	v24 =	vadd.s32 v18, v24;
	v21 =	vld [tilespmem:s29+$0x20]  }
0x1f2: {  	v25 =	vld [tilespmem:s21+$0x0];
	vm0 =	vlt.u32 v24, $0x186A00  }
0x1f3: {  	v23 =	vshll.u32 v23, $0x6;
	v24 =	vsel vm0, v24, v5  }
0x1f4: {  	v23 =	vadd.s32 v19, v23;
	[tilespmem:s20+$0xFFFFFFC0] =	vst v24  }
0x1f5: {  	vm0 =	vlt.u32 v23, $0x186A00;
	v22 =	vshll.u32 v22, $0x6;
	v24 =	vld [tilespmem:s1+$0xFFFFFFD0]  }
0x1f6: {  	v23 =	vsel vm0, v23, v6;
	v22 =	vadd.s32 v19, v22;
	v21 =	vshll.u32 v21, $0x6  }
0x1f7: {  	s8 =	simm.s32 $0x198E0;
	v26 =	vld [tilespmem:s21+$0xFFFFFFC0];
	[tilespmem:s10+$0xFFFFFFD0] =	vst v23;
	v23 =	vshll.u32 v25, $0x6;
	vm1 =	vlt.u32 v22, $0x186A00;
	v21 =	vadd.s32 v20, v21  }
0x1f8: {  	v27 =	vld [tilespmem:s8+$0x0];
	v23 =	vadd.s32 v18, v23;
	v22 =	vsel vm1, v22, v10;
	vm0 =	vlt.u32 v21, $0x186A00  }
0x1f9: {  	v25 =	vld [tilespmem:s29+$0xFFFFFFE0];
	[tilespmem:s20+$0x10] =	vst v22;
	v21 =	vsel vm0, v21, v11;
	vm0 =	vlt.u32 v23, $0x186A00  }
0x1fa: {  	s4 =	simm.s32 $0x1B860;
	v28 =	vld [tilespmem:s8+$0xFFFFFFC0];
	v24 =	vshll.u32 v24, $0x6;
	[tilespmem:s10+$0x20] =	vst v21;
	v21 =	vsel vm0, v23, v9  }
0x1fb: {  	v24 =	vadd.s32 v19, v24;
	[tilespmem:s4+$0x0] =	vst v21;
	v21 =	vld [tilespmem:s1+$0x20]  }
0x1fc: {  	vm1 =	vlt.u32 v24, $0x186A00;
	v23 =	vshll.u32 v26, $0x6;
	v26 =	vld [tilespmem:s21+$0x10]  }
0x1fd: {  	v24 =	vsel vm1, v24, v6;
	v23 =	vadd.s32 v18, v23  }
0x1fe: {  	v25 =	vshll.u32 v25, $0x6;
	v22 =	vld [tilespmem:s29+$0x30];
	[tilespmem:s20+$0xFFFFFFD0] =	vst v24;
	vm0 =	vlt.u32 v23, $0x186A00  }
0x1ff: {  	v25 =	vadd.s32 v20, v25;
	v24 =	vshll.u32 v27, $0x6;
	v27 =	vld [tilespmem:s1+$0xFFFFFFE0];
	v23 =	vsel vm0, v23, v5  }
0x200: {  	v28 =	vshll.u32 v28, $0x6;
	vm0 =	vlt.u32 v25, $0x186A00;
	[tilespmem:s4+$0xFFFFFFC0] =	vst v23;
	v21 =	vshll.u32 v21, $0x6  }
0x201: {  	v23 =	vsel vm0, v25, v7;
	v25 =	vld [tilespmem:s21+$0xFFFFFFD0];
	v26 =	vshll.u32 v26, $0x6;
	v21 =	vadd.s32 v20, v21  }
0x202: {  	v24 =	vadd.s32 v18, v24;
	[tilespmem:s10+$0xFFFFFFE0] =	vst v23;
	v23 =	vadd.s32 v19, v26;
	vm0 =	vlt.u32 v21, $0x186A00  }
0x203: {  	s30 =	simm.s32 $0x19960;
	v22 =	vshll.u32 v22, $0x6;
	v26 =	vld [tilespmem:s29+$0xFFFFFFF0];
	vm1 =	vlt.u32 v23, $0x186A00;
	v21 =	vsel vm0, v21, v11  }
0x204: {  	v29 =	vld [tilespmem:s30+$0x0];
	v27 =	vshll.u32 v27, $0x6;
	vm0 =	vlt.u32 v24, $0x186A00;
	v23 =	vsel vm1, v23, v10;
	[tilespmem:s20+$0x20] =	vst v21  }
0x205: {  	v22 =	vadd.s32 v17, v22;
	s29 =	simm.s32 $0x1B8E0;
	v27 =	vadd.s32 v20, v27;
	v24 =	vsel vm0, v24, v9;
	[tilespmem:s4+$0x10] =	vst v23;
	v23 =	vld [tilespmem:s1+$0x30]  }
0x206: {  	vm1 =	vlt.u32 v22, $0x186A00;
	v21 =	vadd.s32 v18, v28;
	v25 =	vshll.u32 v25, $0x6;
	[tilespmem:s29+$0x0] =	vst v24;
	v24 =	vld [tilespmem:s21+$0x20]  }
0x207: {  	v22 =	vsel vm1, v22, v12;
	vm0 =	vlt.u32 v21, $0x186A00;
	v25 =	vadd.s32 v19, v25;
	v30 =	vld [tilespmem:s8+$0x10]  }
0x208: {  	v28 =	vsel vm0, v21, v5;
	vm0 =	vlt.u32 v25, $0x186A00;
	v21 =	vshll.u32 v26, $0x6  }
0x209: {  	v26 =	vsel vm0, v25, v6;
	vm0 =	vlt.u32 v27, $0x186A00;
	[tilespmem:s29+$0xFFFFFFC0] =	vst v28;
	v28 =	vshll.u32 v29, $0x6  }
0x20a: {  	[tilespmem:s10+$0x30] =	vst v22;
	v25 =	vld [tilespmem:s30+$0xFFFFFFC0];
	v21 =	vadd.s32 v17, v21;
	v22 =	vsel vm0, v27, v7;
	v23 =	vshll.u32 v23, $0x6  }
0x20b: {  	[tilespmem:s4+$0xFFFFFFD0] =	vst v26;
	v28 =	vadd.s32 v18, v28;
	v27 =	vshll.u32 v24, $0x6;
	v29 =	vadd.s32 v17, v23;
	v24 =	vld [tilespmem:s8+$0xFFFFFFD0]  }
0x20c: {  	v26 =	vshll.u32 v30, $0x6;
	v23 =	vld [tilespmem:s21+$0xFFFFFFE0];
	v30 =	vadd.s32 v20, v27;
	vm1 =	vlt.u32 v29, $0x186A00  }
0x20d: {  	[tilespmem:s20+$0xFFFFFFE0] =	vst v22;
	v27 =	vadd.s32 v19, v26;
	vm2 =	vlt.u32 v30, $0x186A00;
	v29 =	vsel vm1, v29, v12  }
0x20e: {  	s5 =	simm.s32 $0x8;
	s0 =	simm.s32 $0x1B8E0;
	vm0 =	vlt.u32 v21, $0x186A00;
	v22 =	vld [tilespmem:s1+$0xFFFFFFF0];
	s1 =	simm.s32 $0x199E0;
	vm1 =	vlt.u32 v27, $0x186A00;
	v26 =	vsel vm2, v30, v11;
	[tilespmem:s20+$0x30] =	vst v29  }
.LBB2_17:
0x20f: {  	v29 =	vld [tilespmem:s1+$0x0];
	v25 =	vshll.u32 v25, $0x6;
	vm2 =	vlt.u32 v28, $0x186A00;
	v27 =	vsel vm1, v27, v10;
	[tilespmem:s4+$0x20] =	vst v26  }
0x210: {  	v24 =	vshll.u32 v24, $0x6;
	s0 =	sadd.s32 $0x80, s0;
	v25 =	vadd.s32 v18, v25;
	v26 =	vsel vm2, v28, v9;
	[tilespmem:s29+$0x10] =	vst v27;
	v27 =	vld [tilespmem:s21+$0x30]  }
0x211: {  	v23 =	vshll.u32 v23, $0x6;
	v24 =	vadd.s32 v19, v24;
	vm1 =	vlt.u32 v25, $0x186A00;
	[tilespmem:s0+$0x0] =	vst v26;
	v26 =	vld [tilespmem:s8+$0x20]  }
0x212: {  	v23 =	vadd.s32 v20, v23;
	v28 =	vsel vm1, v25, v5;
	v30 =	vld [tilespmem:s30+$0x10];
	vm1 =	vlt.u32 v24, $0x186A00  }
0x213: {  	s5 =	sadd.s32 $0x2, s5;
	v22 =	vshll.u32 v22, $0x6;
	v25 =	vld [tilespmem:s1+$0xFFFFFFC0];
	[tilespmem:s0+$0xFFFFFFC0] =	vst v28;
	v28 =	vsel vm1, v24, v6;
	vm1 =	vlt.u32 v23, $0x186A00  }
0x214: {  	v31 =	vsel vm0, v21, v8;
	p0 =	slt.u32 s5, $0x3E;
	v21 =	vadd.s32 v17, v22;
	v24 =	vld [tilespmem:s30+$0xFFFFFFD0];
	[tilespmem:s29+$0xFFFFFFD0] =	vst v28;
	v28 =	vsel vm1, v23, v7  }
.Ltmp7:
0x215: {  	vm0 =	vlt.u32 v21, $0x186A00;
	v23 =	vld [tilespmem:s8+$0xFFFFFFE0];
	[tilespmem:s4+$0xFFFFFFE0] =	vst v28;
	v27 =	vshll.u32 v27, $0x6;
	(pc) =	sbr.rel @p0 .LBB2_17-.Ltmp7, $4  }
0x216: {  	v28 =	vshll.u32 v29, $0x6;
	v26 =	vshll.u32 v26, $0x6;
	v22 =	vld [tilespmem:s21+$0xFFFFFFF0];
	v29 =	vadd.s32 v17, v27;
	[tilespmem:s10+$0xFFFFFFF0] =	vst v31;
	s10 =	smov.u32 s20;
	s20 =	smov.u32 s4;
	s4 =	smov.u32 s29  }
0x217: {  	s29 =	smov.u32 s0;
	s21 =	smov.u32 s8;
	s8 =	smov.u32 s30;
	v27 =	vshll.u32 v30, $0x6;
	v26 =	vadd.s32 v20, v26;
	vm1 =	vlt.u32 v29, $0x186A00  }
0x218: {  	s30 =	smov.u32 s1;
	v27 =	vadd.s32 v19, v27;
	vm2 =	vlt.u32 v26, $0x186A00;
	v29 =	vsel vm1, v29, v12  }
0x219: {  	v28 =	vadd.s32 v18, v28;
	s1 =	sadd.s32 $0x80, s1;
	vm1 =	vlt.u32 v27, $0x186A00;
	v26 =	vsel vm2, v26, v11;
	[tilespmem:s20+$0x30] =	vst v29  }
0x21a: {  	v25 =	vshll.u32 v25, $0x6;
	vm2 =	vlt.u32 v28, $0x186A00  }
0x21b: {  	s0 =	sadd.s32 $0x80, s0;
	v25 =	vadd.s32 v18, v25;
	v28 =	vsel vm2, v28, v9  }
0x21c: {  	vm12 =	vlt.u32 v25, $0x186A00;
	[tilespmem:s0+$0x0] =	vst v28  }
0x21d: {  	v25 =	vsel vm12, v25, v5;
	v28 =	vld [tilespmem:s30+$0x10]  }
0x21e: {  	[tilespmem:s0+$0xFFFFFFC0] =	vst v25  }
0x21f: {  	v25 =	vld [tilespmem:s30+$0xFFFFFFD0];
	_ =	sdelay $0x1  }
0x220: {  	v24 =	vshll.u32 v24, $0x6;
	v27 =	vsel vm1, v27, v10  }
0x221: {  	v24 =	vadd.s32 v19, v24;
	[tilespmem:s29+$0x10] =	vst v27;
	v28 =	vshll.u32 v28, $0x6  }
0x222: {  	vm13 =	vlt.u32 v24, $0x186A00;
	v27 =	vld [tilespmem:s8+$0x20];
	v28 =	vadd.s32 v19, v28  }
0x223: {  	v24 =	vsel vm13, v24, v6;
	vm14 =	vlt.u32 v28, $0x186A00;
	v25 =	vshll.u32 v25, $0x6  }
0x224: {  	[tilespmem:s29+$0xFFFFFFD0] =	vst v24;
	v50 =	vsel vm14, v28, v10;
	v25 =	vadd.s32 v19, v25  }
0x225: {  	v51 =	vld [tilespmem:s8+$0xFFFFFFE0];
	[tilespmem:s0+$0x10] =	vst v50;
	vm15 =	vlt.u32 v25, $0x186A00  }
0x226: {  	v23 =	vshll.u32 v23, $0x6;
	v24 =	vld [tilespmem:s30+$0x20];
	v25 =	vsel vm15, v25, v6  }
0x227: {  	v23 =	vadd.s32 v20, v23;
	v27 =	vshll.u32 v27, $0x6;
	[tilespmem:s0+$0xFFFFFFD0] =	vst v25  }
0x228: {  	vm4 =	vlt.u32 v23, $0x186A00;
	v52 =	vadd.s32 v20, v27;
	v25 =	vld [tilespmem:s30+$0xFFFFFFE0]  }
0x229: {  	[tilespmem:s4+$0x20] =	vst v26;
	v23 =	vsel vm4, v23, v7;
	vm5 =	vlt.u32 v52, $0x186A00  }
0x22a: {  	[tilespmem:s4+$0xFFFFFFE0] =	vst v23;
	v53 =	vshll.u32 v51, $0x6;
	v23 =	vsel vm5, v52, v11  }
0x22b: {  	v54 =	vld [tilespmem:s21+$0x30];
	v27 =	vadd.s32 v20, v53;
	[tilespmem:s29+$0x20] =	vst v23;
	v24 =	vshll.u32 v24, $0x6  }
0x22c: {  	vm6 =	vlt.u32 v27, $0x186A00;
	v56 =	vld [tilespmem:s8+$0x30];
	v24 =	vadd.s32 v20, v24  }
0x22d: {  	v23 =	vsel vm6, v27, v7;
	vm7 =	vlt.u32 v24, $0x186A00;
	v25 =	vshll.u32 v25, $0x6  }
0x22e: {  	v55 =	vld [tilespmem:s21+$0xFFFFFFF0];
	[tilespmem:s29+$0xFFFFFFE0] =	vst v23;
	v23 =	vsel vm7, v24, v11;
	v57 =	vadd.s32 v20, v25  }
0x22f: {  	v22 =	vshll.u32 v22, $0x6;
	v58 =	vld [tilespmem:s8+$0xFFFFFFF0];
	[tilespmem:s0+$0x20] =	vst v23;
	vm8 =	vlt.u32 v57, $0x186A00  }
0x230: {  	v21 =	vsel vm0, v21, v8;
	v22 =	vadd.s32 v17, v22;
	v59 =	vld [tilespmem:s30+$0x30];
	v24 =	vsel vm8, v57, v7  }
0x231: {  	vm9 =	vlt.u32 v22, $0x186A00;
	v27 =	vshll.u32 v56, $0x6;
	v23 =	vshll.u32 v54, $0x6;
	[tilespmem:s0+$0xFFFFFFE0] =	vst v24  }
0x232: {  	[tilespmem:s10+$0xFFFFFFF0] =	vst v21;
	v21 =	vsel vm9, v22, v8;
	v22 =	vadd.s32 v17, v27;
	v23 =	vadd.s32 v17, v23;
	v61 =	vld [tilespmem:s30+$0xFFFFFFF0]  }
0x233: {  	vm12 =	vlt.u32 v22, $0x186A00;
	vm10 =	vlt.u32 v23, $0x186A00  }
0x234: {  	[tilespmem:s20+$0xFFFFFFF0] =	vst v21;
	v60 =	vshll.u32 v55, $0x6;
	v21 =	vsel vm12, v22, v12;
	v23 =	vsel vm10, v23, v12  }
0x235: {  	v24 =	vadd.s32 v17, v60;
	[tilespmem:s4+$0x30] =	vst v23;
	v23 =	vshll.u32 v58, $0x6;
	v62 =	vshll.u32 v59, $0x6  }
0x236: {  	vm11 =	vlt.u32 v24, $0x186A00;
	v22 =	vadd.s32 v17, v23;
	v23 =	vadd.s32 v17, v62  }
0x237: {  	[tilespmem:s29+$0x30] =	vst v21;
	v21 =	vsel vm11, v24, v8;
	vm13 =	vlt.u32 v23, $0x186A00;
	v63 =	vshll.u32 v61, $0x6  }
0x238: {  	[tilespmem:s4+$0xFFFFFFF0] =	vst v21;
	vm14 =	vlt.u32 v22, $0x186A00;
	v21 =	vsel vm13, v23, v12;
	v23 =	vadd.s32 v17, v63  }
0x239: {  	[tilespmem:s0+$0x30] =	vst v21;
	v21 =	vsel vm14, v22, v8;
	vm15 =	vlt.u32 v23, $0x186A00  }
0x23a: {  	[tilespmem:s29+$0xFFFFFFF0] =	vst v21;
	v21 =	vsel vm15, v23, v8  }
0x23b: {  	s6 =	sadd.s32 $0x1, s6;
	s30 =	simm.s32 $0x1B720;
	[tilespmem:s0+$0xFFFFFFF0] =	vst v21  }
0x23c: {  	[spmem:s3] =	stream.indirect.scatter.add.f32 [tilespmem:s19], [sflag:$0x4], $0x1, s30, s31, $0xb8;
	[tilespmem:$0x1FFA0] =	vst v63  }
0x23d: {  	p0 =	sne.s32 s6, $0x8;
	_ =	swait.ge [sflag:s26], $0x1000  }
.Ltmp8:
0x23e: {  	[sflag:s26] =	ssyncset.done $0x0;
	(pc) =	sbr.rel @p0 .LBB2_14-.Ltmp8, $4  }
0x23f: {  	[sflag:s26] =	ssyncadd.s32 $0xFFFFF000  }
0x240: {  	_ =	swait.ge [sflag:s28], $0x1000  }
0x241: {  	[sflag:s28] =	ssyncset.done $0x0  }
0x242: {  	[sflag:s28] =	ssyncadd.s32 $0xFFFFF000  }
0x243: {  	[bflag:$0x0] =	sbarrier.arrive $0xFFFF  }
0x244: {  	s30 =	rddreg [dreg:$0x7]  }
0x245: {  	[tilespmem:s22], [sflag:$0x1] =	stream.linear.gather [spmem:s30], $0x1388, $0x38;
	[tilespmem:$0x1FFA0] =	vst v63  }
0x246: {  	s0 =	rddreg [dreg:$0xa]  }
0x247: {  	[tilespmem:s23], [sflag:$0x2] =	stream.linear.gather [spmem:s0], $0x1388, $0x38;
	[tilespmem:$0x1FFA0] =	vst v63  }
0x248: {  	_ =	swait.ge [sflag:s24], $0x1388  }
0x249: {  	[sflag:s24] =	ssyncset.done $0x0  }
0x24a: {  	s21 =	sadd.s32 $0x0, s17;
	[sflag:s24] =	ssyncadd.s32 $0xFFFFEC78  }
0x24b: {  	[hbm4b:s21+s2] =	stream.linear.scatter [tilespmem:s22], [sflag:$0x3], $0x1388, $0x38;
	[tilespmem:$0x1FFA0] =	vst v63  }
0x24c: {  	_ =	swait.ge [sflag:s25], $0x1388  }
0x24d: {  	[sflag:s25] =	ssyncset.done $0x0  }
0x24e: {  	s29 =	sadd.s32 $0x0, s18;
	[sflag:s25] =	ssyncadd.s32 $0xFFFFEC78  }
0x24f: {  	[hbm4b:s29+s2] =	stream.linear.scatter [tilespmem:s23], [sflag:$0x4], $0x1388, $0x38;
	[tilespmem:$0x1FFA0] =	vst v63  }
0x250: {  	_ =	swait.ge [sflag:s26], $0x1388  }
0x251: {  	[sflag:s26] =	ssyncset.done $0x0  }
0x252: {  	[sflag:s26] =	ssyncadd.s32 $0xFFFFEC78  }
0x253: {  	_ =	swait.ge [sflag:s28], $0x1388  }
0x254: {  	s1 =	smov.u32 s30;
	s0 =	simm.s32 $0x4E2;
	[sflag:s28] =	ssyncset.done $0x0  }
.LBB2_20:
0x255: {  	p0 =	sne.s32 s0, $0x2BF2;
	[sflag:s28] =	ssyncadd.s32 $0xFFFFEC78;
	s1 =	sadd.s32 $0x2710, s1  }
0x256: {  	[tilespmem:s22], [sflag:$0x1] =	stream.linear.gather [spmem:s1], $0x1388, $0x38;
	[tilespmem:$0x1FFA0] =	vst v63  }
0x257: {  	s5 =	smov.u32 s0;
	s0 =	sadd.s32 $0x4E2, s0;
	s4 =	sadd.s32 $0x1388, s1  }
0x258: {  	[tilespmem:s23], [sflag:$0x2] =	stream.linear.gather [spmem:s4], $0x1388, $0x38;
	[tilespmem:$0x1FFA0] =	vst v63  }
0x259: {  	_ =	swait.ge [sflag:s24], $0x1388  }
0x25a: {  	[sflag:s24] =	ssyncset.done $0x0  }
0x25b: {  	s4 =	sadd.s32 s5, s17;
	[sflag:s24] =	ssyncadd.s32 $0xFFFFEC78  }
0x25c: {  	[hbm4b:s4+s2] =	stream.linear.scatter [tilespmem:s22], [sflag:$0x3], $0x1388, $0x38;
	[tilespmem:$0x1FFA0] =	vst v63  }
0x25d: {  	_ =	swait.ge [sflag:s25], $0x1388  }
0x25e: {  	[sflag:s25] =	ssyncset.done $0x0  }
0x25f: {  	s4 =	sadd.s32 s5, s18;
	[sflag:s25] =	ssyncadd.s32 $0xFFFFEC78  }
0x260: {  	[hbm4b:s4+s2] =	stream.linear.scatter [tilespmem:s23], [sflag:$0x4], $0x1388, $0x38;
	[tilespmem:$0x1FFA0] =	vst v63  }
.Ltmp9:
0x261: {  	_ =	swait.ge [sflag:s26], $0x1388;
	(pc) =	sbr.rel @p0 .LBB2_20-.Ltmp9, $4  }
0x262: {  	[sflag:s26] =	ssyncset.done $0x0  }
0x263: {  	[sflag:s26] =	ssyncadd.s32 $0xFFFFEC78  }
0x264: {  	_ =	swait.ge [sflag:s28], $0x1388  }
0x265: {  	[sflag:s28] =	ssyncset.done $0x0  }
0x266: {  	s1 =	rddreg [dreg:$0x9]  }
0x267: {  	s0 =	rddreg [dreg:$0x8];
	s1 =	sadd.s32 $0x1, s1  }
0x268: {  	p0 =	sne.s32 s1, s0  }
.Ltmp10:
0x269: {  	_ = 	snop;
	(pc) =	sbr.rel @p0 .LBB2_1-.Ltmp10, $2  }
0x26a: {  	_ =	sdelay $0x2  }
0x26b: {  	[sflag:s28] =	ssyncadd.s32 $0xFFFFEC78  }
0x26c: {  	_ =	sfence.sel $0x180000  }
0x26d: {  	[bflag:$0x0] =	sbarrier.arrive $0xFFFF  }
0x26e: {  	_ =	strace $0x90000047  }
0x26f: {  	s0 =	stileid.u32;
	[bflag:$0x2] =	sbarrier.arrive $0xFFFF  }
0x270: {  	p0 =	sne.s32 s0, $0x0;
	s0 =	rddreg [dreg:$0x3]  }
0x271: {  	s0 =	sadd.s32 @!p0 $0x100000, s0  }
0x272: {  	[sflag:s0] =	ssyncadd.tile.s32 @!p0 $0x1;
	_ =	shalt  }
.Lfunc_end2:
_tile_overlayer_lowered:
.L_overlay_start_2:
0x273: {  	(tag) =	ssettag $0x2  }
0x274: {  	s0 =	rddreg [dreg:$0x0];
	s2 =	stileid.u32  }
0x275: {  	s1 =	rddreg [dreg:$0x1];
	p0 =	sne.s32 s2, $0x0  }
0x276: {  	s3 =	rddreg [dreg:$0x2];
	[bflag:$0x3] =	sbarrier.arrive $0xFFFF;
	s2 =	simm.s32 @!p0 $0x1C05  }
0x277: {  	[timem:s3], [sflag:s2] =	dma.local @!p0 [hbm:s0], s1  }
0x278: {  	s0 =	simm.s32 @!p0 $0x5  }
0x279: {  	_ =	swait.ge @!p0 [sflag:s0], s1  }
0x27a: {  	s1 =	ssub.s32 @!p0 $0x0, s1;
	[sflag:s0] =	ssyncset.done @!p0 $0x0  }
0x27b: {  	[sflag:s0] =	ssyncadd.s32 @!p0 s1  }
0x27c: {  	[bflag:$0x3] =	sbarrier.arrive $0xFFFF  }
0x27d: {  	_ =	shalt  }

</sc_bundles>
